<compile_context>
chip_gen: v7x
topology: tpu7x:2x2x1
jax: 0.10.2.dev20260603
libtpu: 0.0.44.dev20260713+nightly
codegen_flags: <defaults>
</compile_context>

<pallas_src>
import functools

import jax
import jax.numpy as jnp
from jax.experimental import pallas as pl
from jax.experimental.pallas import tpu as pltpu

V = 100000
D = 1024
LAT = 576
H = 16
HD = D // H
L = 4
ND = 3
E = 8
K = 2
FH = 1024
B = 1
S = 2048

EMB_BT = 16
BS = 256
BQ = 256
LM_BN = 1024

_F32 = jnp.float32
_ARB = lambda n: pltpu.CompilerParams(dimension_semantics=("arbitrary",) * n)


def _ln(x, g, b):
    m = jnp.mean(x, axis=-1, keepdims=True)
    v = jnp.var(x, axis=-1, keepdims=True)
    return (x - m) / jnp.sqrt(v + 1e-5) * g + b


def _rope(x, pos):
    half = x.shape[-1] // 2
    freqs = 1.0 / (10000.0 ** (jnp.arange(half, dtype=jnp.float32) / half))
    ang = pos[:, None].astype(jnp.float32) * freqs[None, :]
    cos = jnp.cos(ang)[None, None, :, :]
    sin = jnp.sin(ang)[None, None, :, :]
    x1 = x[..., :half]
    x2 = x[..., half:]
    return jnp.concatenate([x1 * cos - x2 * sin, x1 * sin + x2 * cos], axis=-1)



def _embed_body(ids_ref, *refs):
    del ids_ref
    out_ref = refs[-1]
    for j in range(EMB_BT):
        out_ref[0, pl.ds(j, 1), :] = refs[j][0]


def _embed(tokens, emb):
    def row_map(i, ids, j=0):
        return (ids[i * EMB_BT + j], 0, 0)

    emb3 = emb.reshape(V, 1, D)
    in_specs = [
        pl.BlockSpec((1, 1, D), functools.partial(row_map, j=j))
        for j in range(EMB_BT)
    ]
    grid_spec = pltpu.PrefetchScalarGridSpec(
        num_scalar_prefetch=1,
        grid=(S // EMB_BT,),
        in_specs=in_specs,
        out_specs=pl.BlockSpec((1, EMB_BT, D), lambda i, ids: (i, 0, 0)),
    )
    out = pl.pallas_call(
        _embed_body,
        grid_spec=grid_spec,
        out_shape=jax.ShapeDtypeStruct((S // EMB_BT, EMB_BT, D), _F32),
    )(tokens, *([emb3] * EMB_BT))
    return out.reshape(S, D)



def _mm_body(a_ref, w_ref, o_ref):
    o_ref[...] = jnp.dot(a_ref[...], w_ref[...], preferred_element_type=_F32)


def _mm(a, w):
    ka, nb = w.shape
    return pl.pallas_call(
        _mm_body,
        grid=(S // BS,),
        in_specs=[pl.BlockSpec((BS, ka), lambda i: (i, 0)),
                  pl.BlockSpec((ka, nb), lambda i: (0, 0))],
        out_specs=pl.BlockSpec((BS, nb), lambda i: (i, 0)),
        out_shape=jax.ShapeDtypeStruct((S, nb), _F32),
        compiler_params=_ARB(1),
    )(a, w)


def _proj_body(h_ref, wq_ref, wkv_ref, wku_ref, wvu_ref,
               q_ref, k_ref, v_ref):
    h = h_ref[...]
    q_ref[...] = jnp.dot(h, wq_ref[...], preferred_element_type=_F32)
    lat = jnp.dot(h, wkv_ref[...], preferred_element_type=_F32)
    k_ref[...] = jnp.dot(lat, wku_ref[...], preferred_element_type=_F32)
    v_ref[...] = jnp.dot(lat, wvu_ref[...], preferred_element_type=_F32)


def _proj(h, wq, wkv, wku, wvu):
    row = pl.BlockSpec((BS, D), lambda i: (i, 0))
    full = lambda r, c: pl.BlockSpec((r, c), lambda i: (0, 0))
    return pl.pallas_call(
        _proj_body,
        grid=(S // BS,),
        in_specs=[row, full(D, D), full(D, LAT), full(LAT, D), full(LAT, D)],
        out_specs=[row, row, row],
        out_shape=[jax.ShapeDtypeStruct((S, D), _F32)] * 3,
        compiler_params=_ARB(1),
    )(h, wq, wkv, wku, wvu)



def _attn_body(q_ref, k_ref, v_ref, o_ref):
    qb = pl.program_id(1)
    s = jnp.dot(q_ref[0], k_ref[0].T, preferred_element_type=_F32)
    s = s / jnp.sqrt(jnp.float32(HD))
    row = qb * BQ + jax.lax.broadcasted_iota(jnp.int32, (BQ, S), 0)
    col = jax.lax.broadcasted_iota(jnp.int32, (BQ, S), 1)
    s = jnp.where(col <= row, s, jnp.float32(-1e9))
    m = jnp.max(s, axis=1, keepdims=True)
    e = jnp.exp(s - m)
    acc = jnp.dot(e, v_ref[0], preferred_element_type=_F32)
    o_ref[0] = acc / jnp.sum(e, axis=1, keepdims=True)


def _attn(q, k, v):
    return pl.pallas_call(
        _attn_body,
        grid=(H, S // BQ),
        in_specs=[
            pl.BlockSpec((1, BQ, HD), lambda h, i: (h, i, 0)),
            pl.BlockSpec((1, S, HD), lambda h, i: (h, 0, 0)),
            pl.BlockSpec((1, S, HD), lambda h, i: (h, 0, 0)),
        ],
        out_specs=pl.BlockSpec((1, BQ, HD), lambda h, i: (h, i, 0)),
        out_shape=jax.ShapeDtypeStruct((H, S, HD), _F32),
        compiler_params=pltpu.CompilerParams(
            dimension_semantics=("arbitrary", "arbitrary")),
    )(q, k, v)



def _outproj_body(o_ref, wo_ref, x_ref, out_ref):
    out_ref[...] = x_ref[...] + jnp.dot(
        o_ref[...], wo_ref[...], preferred_element_type=_F32)


def _outproj(o, wo, x):
    row = pl.BlockSpec((BS, D), lambda i: (i, 0))
    return pl.pallas_call(
        _outproj_body,
        grid=(S // BS,),
        in_specs=[row, pl.BlockSpec((D, D), lambda i: (0, 0)), row],
        out_specs=row,
        out_shape=jax.ShapeDtypeStruct((S, D), _F32),
        compiler_params=_ARB(1),
    )(o, wo, x)



def _ffn_body(h_ref, x_ref, w1_ref, w2_ref, out_ref):
    f = jnp.maximum(
        jnp.dot(h_ref[...], w1_ref[...], preferred_element_type=_F32), 0.0)
    out_ref[...] = x_ref[...] + jnp.dot(
        f, w2_ref[...], preferred_element_type=_F32)


def _ffn(h2, x, w1, w2):
    row = pl.BlockSpec((BS, D), lambda i: (i, 0))
    return pl.pallas_call(
        _ffn_body,
        grid=(S // BS,),
        in_specs=[row, row,
                  pl.BlockSpec((D, FH), lambda i: (0, 0)),
                  pl.BlockSpec((FH, D), lambda i: (0, 0))],
        out_specs=row,
        out_shape=jax.ShapeDtypeStruct((S, D), _F32),
        compiler_params=_ARB(1),
    )(h2, x, w1, w2)



def _moe_body(h_ref, x_ref, cent_ref, we1_ref, we2_ref,
              out_ref, rl_ref, tk_ref, acc_ref):
    e = pl.program_id(1)
    h2 = h_ref[...]
    rl = jnp.dot(h2, cent_ref[...].T, preferred_element_type=_F32)

    ii = jax.lax.broadcasted_iota(jnp.int32, (BS, E), 1)
    t1v = jnp.max(rl, axis=1, keepdims=True)
    t1i = jnp.min(jnp.where(rl == t1v, ii, E), axis=1, keepdims=True)
    masked = jnp.where(ii == t1i, -jnp.inf, rl)
    t2v = jnp.max(masked, axis=1, keepdims=True)
    t2i = jnp.min(jnp.where(masked == t2v, ii, E), axis=1, keepdims=True)

    w2 = jnp.exp(t2v - t1v)
    den = 1.0 + w2
    g1 = 1.0 / den
    g2 = w2 / den
    gate = (jnp.where(t1i == e, g1, 0.0) + jnp.where(t2i == e, g2, 0.0))

    he = jnp.maximum(
        jnp.dot(h2, we1_ref[0], preferred_element_type=_F32), 0.0)
    ye = jnp.dot(he, we2_ref[0], preferred_element_type=_F32)
    contrib = ye * gate

    @pl.when(e == 0)
    def _():
        acc_ref[...] = contrib
        rl_ref[...] = rl
        ki = jax.lax.broadcasted_iota(jnp.int32, (BS, K), 1)
        tk_ref[...] = jnp.where(ki == 0, t1i, t2i)

    @pl.when(e > 0)
    def _():
        acc_ref[...] = acc_ref[...] + contrib

    @pl.when(e == E - 1)
    def _():
        out_ref[...] = x_ref[...] + acc_ref[...]


def _moe(h2, x, cent, we1, we2):
    row = pl.BlockSpec((BS, D), lambda i, e: (i, 0))
    return pl.pallas_call(
        _moe_body,
        grid=(S // BS, E),
        in_specs=[
            row,
            row,
            pl.BlockSpec((E, D), lambda i, e: (0, 0)),
            pl.BlockSpec((1, D, FH), lambda i, e: (e, 0, 0)),
            pl.BlockSpec((1, FH, D), lambda i, e: (e, 0, 0)),
        ],
        out_specs=[
            row,
            pl.BlockSpec((BS, E), lambda i, e: (i, 0)),
            pl.BlockSpec((BS, K), lambda i, e: (i, 0)),
        ],
        out_shape=[
            jax.ShapeDtypeStruct((S, D), _F32),
            jax.ShapeDtypeStruct((S, E), _F32),
            jax.ShapeDtypeStruct((S, K), jnp.int32),
        ],
        scratch_shapes=[pltpu.VMEM((BS, D), _F32)],
        compiler_params=pltpu.CompilerParams(
            dimension_semantics=("arbitrary", "arbitrary")),
    )(h2, x, cent, we1, we2)



def _lm_body(x_ref, w_ref, b_ref, out_ref):
    out_ref[...] = jnp.dot(
        x_ref[...], w_ref[...], preferred_element_type=_F32) + b_ref[...]


def _lm_head(x, w, b):
    nb = pl.cdiv(V, LM_BN)
    return pl.pallas_call(
        _lm_body,
        grid=(nb,),
        in_specs=[
            pl.BlockSpec((S, D), lambda n: (0, 0)),
            pl.BlockSpec((D, LM_BN), lambda n: (0, n)),
            pl.BlockSpec((1, LM_BN), lambda n: (0, n)),
        ],
        out_specs=pl.BlockSpec((S, LM_BN), lambda n: (0, n)),
        out_shape=jax.ShapeDtypeStruct((S, V), _F32),
        compiler_params=_ARB(1),
    )(x, w, b)



def kernel(x, emb, Wq, Wkv, Wku, Wvu, Wo, ln1g, ln1b, ln2g, ln2b,
           Wf1, Wf2, cent, We1, We2, Wlm, blm):
    tokens = x.reshape(S).astype(jnp.int32)
    xs = _embed(tokens, emb)
    pos = jnp.arange(S)

    moe_logits = None
    moe_topk = None
    for i in range(L):
        h = _ln(xs[None], ln1g[i], ln1b[i])[0]
        q, k, v = _proj(h, Wq[i], Wkv[i], Wku[i], Wvu[i])
        qh = _rope(q.reshape(1, S, H, HD).transpose(0, 2, 1, 3), pos)[0]
        kh = _rope(k.reshape(1, S, H, HD).transpose(0, 2, 1, 3), pos)[0]
        vh = v.reshape(S, H, HD).transpose(1, 0, 2)
        o = _attn(qh, kh, vh).transpose(1, 0, 2).reshape(S, D)
        xs = _outproj(o, Wo[i], xs)
        h2 = _ln(xs[None], ln2g[i], ln2b[i])[0]
        if i < ND:
            xs = _ffn(h2, xs, Wf1[i], Wf2[i])
        else:
            xs, rl, tk = _moe(h2, xs, cent, We1, We2)
            moe_logits = rl
            moe_topk = tk

    logits = _lm_head(xs, Wlm, blm.reshape(1, V))
    return (logits.reshape(B, S, V),
            moe_logits.reshape(1, B, S, E),
            moe_topk.reshape(1, B, S, K))

# --- scband reference (transcript-rebuilt; emitter-appended) ---
"""Pipeline reference for scband-deep-seek-v3-1597727834588 (READ-ONLY COPY).

The authoritative reference and input builder live on the scoring server;
editing this copy changes nothing except your own understanding.
"""

import jax, jax.numpy as jnp
import numpy as np

V = 100000
D = 1024
LAT = 576
H = 16
HD = D // H
L = 4
ND = 3
E = 8
K = 2
FH = 1024
B = 1
S = 2048


def _ln(x, g, b):
    m = jnp.mean(x, axis=-1, keepdims=True)
    v = jnp.var(x, axis=-1, keepdims=True)
    return (x - m) / jnp.sqrt(v + 1e-5) * g + b


def _rope(x, pos):
    half = x.shape[-1] // 2
    freqs = 1.0 / (10000.0 ** (jnp.arange(half, dtype=jnp.float32) / half))
    ang = pos[:, None].astype(jnp.float32) * freqs[None, :]
    cos = jnp.cos(ang)[None, None, :, :]
    sin = jnp.sin(ang)[None, None, :, :]
    x1 = x[..., :half]
    x2 = x[..., half:]
    return jnp.concatenate([x1 * cos - x2 * sin, x1 * sin + x2 * cos], axis=-1)


def setup_inputs(seed: int = 0):
    key = jax.random.key(seed)
    ks = jax.random.split(key, 20)
    def nrm(i, shape, scale=0.02):
        return jax.random.normal(ks[i], shape, dtype=jnp.float32) * scale
    inp = {}
    inp["x"] = jax.random.randint(ks[0], (B, S), 0, V)
    inp["emb"] = nrm(1, (V, D))
    inp["Wq"] = nrm(2, (L, D, D))
    inp["Wkv"] = nrm(3, (L, D, LAT))
    inp["Wku"] = nrm(4, (L, LAT, D))
    inp["Wvu"] = nrm(5, (L, LAT, D))
    inp["Wo"] = nrm(6, (L, D, D))
    inp["ln1g"] = jnp.ones((L, D), jnp.float32)
    inp["ln1b"] = jnp.zeros((L, D), jnp.float32)
    inp["ln2g"] = jnp.ones((L, D), jnp.float32)
    inp["ln2b"] = jnp.zeros((L, D), jnp.float32)
    inp["Wf1"] = nrm(7, (ND, D, FH))
    inp["Wf2"] = nrm(8, (ND, FH, D))
    inp["cent"] = nrm(9, (E, D))
    inp["We1"] = nrm(10, (E, D, FH))
    inp["We2"] = nrm(11, (E, FH, D))
    inp["Wlm"] = nrm(12, (D, V))
    inp["blm"] = jnp.zeros((V,), jnp.float32)
    return inp


def _forward(x_tok, emb, Wq, Wkv, Wku, Wvu, Wo, ln1g, ln1b, ln2g, ln2b, Wf1, Wf2, cent, We1, We2, Wlm, blm):
    x = jnp.take(emb, x_tok, axis=0)
    pos = jnp.arange(S)
    mask = jnp.tril(jnp.ones((S, S), dtype=bool))
    moe_logits = []
    moe_topk = []
    for i in range(L):
        h = _ln(x, ln1g[i], ln1b[i])
        q = (h @ Wq[i]).reshape(B, S, H, HD).transpose(0, 2, 1, 3)
        lat = h @ Wkv[i]
        k = (lat @ Wku[i]).reshape(B, S, H, HD).transpose(0, 2, 1, 3)
        v = (lat @ Wvu[i]).reshape(B, S, H, HD).transpose(0, 2, 1, 3)
        q = _rope(q, pos)
        k = _rope(k, pos)
        att = jnp.einsum('bhqd,bhkd->bhqk', q, k) / jnp.sqrt(jnp.float32(HD))
        att = jnp.where(mask[None, None, :, :], att, jnp.float32(-1e9))
        att = jax.nn.softmax(att, axis=-1)
        o = jnp.einsum('bhqk,bhkd->bhqd', att, v).transpose(0, 2, 1, 3).reshape(B, S, D) @ Wo[i]
        x = x + o
        h2 = _ln(x, ln2g[i], ln2b[i])
        if i < ND:
            f = jax.nn.relu(h2 @ Wf1[i]) @ Wf2[i]
        else:
            t = h2.reshape(B * S, D)
            rl = t @ cent.T
            topv, topi = jax.lax.top_k(rl, K)
            g = jax.nn.softmax(topv, axis=-1)
            oh = jax.nn.one_hot(topi, E, dtype=t.dtype)
            gate = jnp.sum(oh * g[..., None], axis=1)
            he = jax.nn.relu(jnp.einsum('td,edh->teh', t, We1))
            ye = jnp.einsum('teh,ehd->ted', he, We2)
            f = jnp.sum(ye * gate[..., None], axis=1).reshape(B, S, D)
            moe_logits.append(rl.reshape(B, S, E))
            moe_topk.append(topi.reshape(B, S, K))
        x = x + f
    logits = x @ Wlm + blm
    return logits, jnp.stack(moe_logits, 0), jnp.stack(moe_topk, 0)


def reference(x, emb, Wq, Wkv, Wku, Wvu, Wo, ln1g, ln1b, ln2g, ln2b, Wf1, Wf2, cent, We1, We2, Wlm, blm):
    return _forward(x, emb, Wq, Wkv, Wku, Wvu, Wo, ln1g, ln1b, ln2g, ln2b, Wf1, Wf2, cent, We1, We2, Wlm, blm)

if __name__ == "__main__":
    import jax
    _d = setup_inputs()
    print(jax.jit(kernel)(*tuple(_d.values())))

</pallas_src>

<mosaic_0001>
module attributes {stable_mosaic.version = 14 : i64} {
  func.func @_embed_body(%arg0: i32, %arg1: memref<2048xi32, #tpu.memory_space<smem>>, %arg2: memref<1x1x1024xf32, #tpu.memory_space<vmem>>, %arg3: memref<1x1x1024xf32, #tpu.memory_space<vmem>>, %arg4: memref<1x1x1024xf32, #tpu.memory_space<vmem>>, %arg5: memref<1x1x1024xf32, #tpu.memory_space<vmem>>, %arg6: memref<1x1x1024xf32, #tpu.memory_space<vmem>>, %arg7: memref<1x1x1024xf32, #tpu.memory_space<vmem>>, %arg8: memref<1x1x1024xf32, #tpu.memory_space<vmem>>, %arg9: memref<1x1x1024xf32, #tpu.memory_space<vmem>>, %arg10: memref<1x1x1024xf32, #tpu.memory_space<vmem>>, %arg11: memref<1x1x1024xf32, #tpu.memory_space<vmem>>, %arg12: memref<1x1x1024xf32, #tpu.memory_space<vmem>>, %arg13: memref<1x1x1024xf32, #tpu.memory_space<vmem>>, %arg14: memref<1x1x1024xf32, #tpu.memory_space<vmem>>, %arg15: memref<1x1x1024xf32, #tpu.memory_space<vmem>>, %arg16: memref<1x1x1024xf32, #tpu.memory_space<vmem>>, %arg17: memref<1x1x1024xf32, #tpu.memory_space<vmem>>, %arg18: memref<1x16x1024xf32, #tpu.memory_space<vmem>>) attributes {dimension_semantics = [#tpu.dimension_semantics<arbitrary>], iteration_bounds = array<i64: 128>, scalar_prefetch = 1 : i64, scratch_operands = 0 : i64, tpu.core_type = #tpu.core_type<tc>, window_params = [{transform_indices = @transform_0, window_bounds = array<i64: 1, 1, 1024>}, {transform_indices = @transform_1, window_bounds = array<i64: 1, 1, 1024>}, {transform_indices = @transform_2, window_bounds = array<i64: 1, 1, 1024>}, {transform_indices = @transform_3, window_bounds = array<i64: 1, 1, 1024>}, {transform_indices = @transform_4, window_bounds = array<i64: 1, 1, 1024>}, {transform_indices = @transform_5, window_bounds = array<i64: 1, 1, 1024>}, {transform_indices = @transform_6, window_bounds = array<i64: 1, 1, 1024>}, {transform_indices = @transform_7, window_bounds = array<i64: 1, 1, 1024>}, {transform_indices = @transform_8, window_bounds = array<i64: 1, 1, 1024>}, {transform_indices = @transform_9, window_bounds = array<i64: 1, 1, 1024>}, {transform_indices = @transform_10, window_bounds = array<i64: 1, 1, 1024>}, {transform_indices = @transform_11, window_bounds = array<i64: 1, 1, 1024>}, {transform_indices = @transform_12, window_bounds = array<i64: 1, 1, 1024>}, {transform_indices = @transform_13, window_bounds = array<i64: 1, 1, 1024>}, {transform_indices = @transform_14, window_bounds = array<i64: 1, 1, 1024>}, {transform_indices = @transform_15, window_bounds = array<i64: 1, 1, 1024>}, {transform_indices = @transform_16, window_bounds = array<i64: 1, 16, 1024>}]} {
    %get3A = arith.constant 0 : index
    %get3A_0 = arith.constant 0 : index
    %get3A_1 = arith.constant 0 : index
    %get3A_2 = vector.load %arg2[%get3A, %get3A_0, %get3A_1] : memref<1x1x1024xf32, #tpu.memory_space<vmem>>, vector<1x1x1024xf32>
    %get3A_3 = vector.shape_cast %get3A_2 : vector<1x1x1024xf32> to vector<1x1024xf32>
    %swap3A = arith.constant 0 : index
    %swap3A_4 = arith.constant 0 : index
    %swap3A_5 = arith.constant 0 : index
    %swap3A_6 = vector.load %arg18[%swap3A, %swap3A_4, %swap3A_5] : memref<1x16x1024xf32, #tpu.memory_space<vmem>>, vector<1x1x1024xf32>
    %swap3A_7 = vector.shape_cast %swap3A_6 : vector<1x1x1024xf32> to vector<1x1024xf32>
    %swap3A_8 = vector.shape_cast %get3A_3 : vector<1x1024xf32> to vector<1x1x1024xf32>
    tpu.vector_store %arg18[%swap3A, %swap3A_4, %swap3A_5], %swap3A_8 {strides = array<i32>} : memref<1x16x1024xf32, #tpu.memory_space<vmem>>, vector<1x1x1024xf32>,
    %get3A_9 = arith.constant 0 : index
    %get3A_10 = arith.constant 0 : index
    %get3A_11 = arith.constant 0 : index
    %get3A_12 = vector.load %arg3[%get3A_9, %get3A_10, %get3A_11] : memref<1x1x1024xf32, #tpu.memory_space<vmem>>, vector<1x1x1024xf32>
    %get3A_13 = vector.shape_cast %get3A_12 : vector<1x1x1024xf32> to vector<1x1024xf32>
    %swap3A_14 = arith.constant 0 : index
    %swap3A_15 = arith.constant 1 : index
    %swap3A_16 = arith.constant 0 : index
    %swap3A_17 = vector.load %arg18[%swap3A_14, %swap3A_15, %swap3A_16] : memref<1x16x1024xf32, #tpu.memory_space<vmem>>, vector<1x1x1024xf32>
    %swap3A_18 = vector.shape_cast %swap3A_17 : vector<1x1x1024xf32> to vector<1x1024xf32>
    %swap3A_19 = vector.shape_cast %get3A_13 : vector<1x1024xf32> to vector<1x1x1024xf32>
    tpu.vector_store %arg18[%swap3A_14, %swap3A_15, %swap3A_16], %swap3A_19 {strides = array<i32>} : memref<1x16x1024xf32, #tpu.memory_space<vmem>>, vector<1x1x1024xf32>,
    %get3A_20 = arith.constant 0 : index
    %get3A_21 = arith.constant 0 : index
    %get3A_22 = arith.constant 0 : index
    %get3A_23 = vector.load %arg4[%get3A_20, %get3A_21, %get3A_22] : memref<1x1x1024xf32, #tpu.memory_space<vmem>>, vector<1x1x1024xf32>
    %get3A_24 = vector.shape_cast %get3A_23 : vector<1x1x1024xf32> to vector<1x1024xf32>
    %swap3A_25 = arith.constant 0 : index
    %swap3A_26 = arith.constant 2 : index
    %swap3A_27 = arith.constant 0 : index
    %swap3A_28 = vector.load %arg18[%swap3A_25, %swap3A_26, %swap3A_27] : memref<1x16x1024xf32, #tpu.memory_space<vmem>>, vector<1x1x1024xf32>
    %swap3A_29 = vector.shape_cast %swap3A_28 : vector<1x1x1024xf32> to vector<1x1024xf32>
    %swap3A_30 = vector.shape_cast %get3A_24 : vector<1x1024xf32> to vector<1x1x1024xf32>
    tpu.vector_store %arg18[%swap3A_25, %swap3A_26, %swap3A_27], %swap3A_30 {strides = array<i32>} : memref<1x16x1024xf32, #tpu.memory_space<vmem>>, vector<1x1x1024xf32>,
    %get3A_31 = arith.constant 0 : index
    %get3A_32 = arith.constant 0 : index
    %get3A_33 = arith.constant 0 : index
    %get3A_34 = vector.load %arg5[%get3A_31, %get3A_32, %get3A_33] : memref<1x1x1024xf32, #tpu.memory_space<vmem>>, vector<1x1x1024xf32>
    %get3A_35 = vector.shape_cast %get3A_34 : vector<1x1x1024xf32> to vector<1x1024xf32>
    %swap3A_36 = arith.constant 0 : index
    %swap3A_37 = arith.constant 3 : index
    %swap3A_38 = arith.constant 0 : index
    %swap3A_39 = vector.load %arg18[%swap3A_36, %swap3A_37, %swap3A_38] : memref<1x16x1024xf32, #tpu.memory_space<vmem>>, vector<1x1x1024xf32>
    %swap3A_40 = vector.shape_cast %swap3A_39 : vector<1x1x1024xf32> to vector<1x1024xf32>
    %swap3A_41 = vector.shape_cast %get3A_35 : vector<1x1024xf32> to vector<1x1x1024xf32>
    tpu.vector_store %arg18[%swap3A_36, %swap3A_37, %swap3A_38], %swap3A_41 {strides = array<i32>} : memref<1x16x1024xf32, #tpu.memory_space<vmem>>, vector<1x1x1024xf32>,
    %get3A_42 = arith.constant 0 : index
    %get3A_43 = arith.constant 0 : index
    %get3A_44 = arith.constant 0 : index
    %get3A_45 = vector.load %arg6[%get3A_42, %get3A_43, %get3A_44] : memref<1x1x1024xf32, #tpu.memory_space<vmem>>, vector<1x1x1024xf32>
    %get3A_46 = vector.shape_cast %get3A_45 : vector<1x1x1024xf32> to vector<1x1024xf32>
    %swap3A_47 = arith.constant 0 : index
    %swap3A_48 = arith.constant 4 : index
    %swap3A_49 = arith.constant 0 : index
    %swap3A_50 = vector.load %arg18[%swap3A_47, %swap3A_48, %swap3A_49] : memref<1x16x1024xf32, #tpu.memory_space<vmem>>, vector<1x1x1024xf32>
    %swap3A_51 = vector.shape_cast %swap3A_50 : vector<1x1x1024xf32> to vector<1x1024xf32>
    %swap3A_52 = vector.shape_cast %get3A_46 : vector<1x1024xf32> to vector<1x1x1024xf32>
    tpu.vector_store %arg18[%swap3A_47, %swap3A_48, %swap3A_49], %swap3A_52 {strides = array<i32>} : memref<1x16x1024xf32, #tpu.memory_space<vmem>>, vector<1x1x1024xf32>,
    %get3A_53 = arith.constant 0 : index
    %get3A_54 = arith.constant 0 : index
    %get3A_55 = arith.constant 0 : index
    %get3A_56 = vector.load %arg7[%get3A_53, %get3A_54, %get3A_55] : memref<1x1x1024xf32, #tpu.memory_space<vmem>>, vector<1x1x1024xf32>
    %get3A_57 = vector.shape_cast %get3A_56 : vector<1x1x1024xf32> to vector<1x1024xf32>
    %swap3A_58 = arith.constant 0 : index
    %swap3A_59 = arith.constant 5 : index
    %swap3A_60 = arith.constant 0 : index
    %swap3A_61 = vector.load %arg18[%swap3A_58, %swap3A_59, %swap3A_60] : memref<1x16x1024xf32, #tpu.memory_space<vmem>>, vector<1x1x1024xf32>
    %swap3A_62 = vector.shape_cast %swap3A_61 : vector<1x1x1024xf32> to vector<1x1024xf32>
    %swap3A_63 = vector.shape_cast %get3A_57 : vector<1x1024xf32> to vector<1x1x1024xf32>
    tpu.vector_store %arg18[%swap3A_58, %swap3A_59, %swap3A_60], %swap3A_63 {strides = array<i32>} : memref<1x16x1024xf32, #tpu.memory_space<vmem>>, vector<1x1x1024xf32>,
    %get3A_64 = arith.constant 0 : index
    %get3A_65 = arith.constant 0 : index
    %get3A_66 = arith.constant 0 : index
    %get3A_67 = vector.load %arg8[%get3A_64, %get3A_65, %get3A_66] : memref<1x1x1024xf32, #tpu.memory_space<vmem>>, vector<1x1x1024xf32>
    %get3A_68 = vector.shape_cast %get3A_67 : vector<1x1x1024xf32> to vector<1x1024xf32>
    %swap3A_69 = arith.constant 0 : index
    %swap3A_70 = arith.constant 6 : index
    %swap3A_71 = arith.constant 0 : index
    %swap3A_72 = vector.load %arg18[%swap3A_69, %swap3A_70, %swap3A_71] : memref<1x16x1024xf32, #tpu.memory_space<vmem>>, vector<1x1x1024xf32>
    %swap3A_73 = vector.shape_cast %swap3A_72 : vector<1x1x1024xf32> to vector<1x1024xf32>
    %swap3A_74 = vector.shape_cast %get3A_68 : vector<1x1024xf32> to vector<1x1x1024xf32>
    tpu.vector_store %arg18[%swap3A_69, %swap3A_70, %swap3A_71], %swap3A_74 {strides = array<i32>} : memref<1x16x1024xf32, #tpu.memory_space<vmem>>, vector<1x1x1024xf32>,
    %get3A_75 = arith.constant 0 : index
    %get3A_76 = arith.constant 0 : index
    %get3A_77 = arith.constant 0 : index
    %get3A_78 = vector.load %arg9[%get3A_75, %get3A_76, %get3A_77] : memref<1x1x1024xf32, #tpu.memory_space<vmem>>, vector<1x1x1024xf32>
    %get3A_79 = vector.shape_cast %get3A_78 : vector<1x1x1024xf32> to vector<1x1024xf32>
    %swap3A_80 = arith.constant 0 : index
    %swap3A_81 = arith.constant 7 : index
    %swap3A_82 = arith.constant 0 : index
    %swap3A_83 = vector.load %arg18[%swap3A_80, %swap3A_81, %swap3A_82] : memref<1x16x1024xf32, #tpu.memory_space<vmem>>, vector<1x1x1024xf32>
    %swap3A_84 = vector.shape_cast %swap3A_83 : vector<1x1x1024xf32> to vector<1x1024xf32>
    %swap3A_85 = vector.shape_cast %get3A_79 : vector<1x1024xf32> to vector<1x1x1024xf32>
    tpu.vector_store %arg18[%swap3A_80, %swap3A_81, %swap3A_82], %swap3A_85 {strides = array<i32>} : memref<1x16x1024xf32, #tpu.memory_space<vmem>>, vector<1x1x1024xf32>,
    %get3A_86 = arith.constant 0 : index
    %get3A_87 = arith.constant 0 : index
    %get3A_88 = arith.constant 0 : index
    %get3A_89 = vector.load %arg10[%get3A_86, %get3A_87, %get3A_88] : memref<1x1x1024xf32, #tpu.memory_space<vmem>>, vector<1x1x1024xf32>
    %get3A_90 = vector.shape_cast %get3A_89 : vector<1x1x1024xf32> to vector<1x1024xf32>
    %swap3A_91 = arith.constant 0 : index
    %swap3A_92 = arith.constant 8 : index
    %swap3A_93 = arith.constant 0 : index
    %swap3A_94 = vector.load %arg18[%swap3A_91, %swap3A_92, %swap3A_93] : memref<1x16x1024xf32, #tpu.memory_space<vmem>>, vector<1x1x1024xf32>
    %swap3A_95 = vector.shape_cast %swap3A_94 : vector<1x1x1024xf32> to vector<1x1024xf32>
    %swap3A_96 = vector.shape_cast %get3A_90 : vector<1x1024xf32> to vector<1x1x1024xf32>
    tpu.vector_store %arg18[%swap3A_91, %swap3A_92, %swap3A_93], %swap3A_96 {strides = array<i32>} : memref<1x16x1024xf32, #tpu.memory_space<vmem>>, vector<1x1x1024xf32>,
    %get3A_97 = arith.constant 0 : index
    %get3A_98 = arith.constant 0 : index
    %get3A_99 = arith.constant 0 : index
    %get3A_100 = vector.load %arg11[%get3A_97, %get3A_98, %get3A_99] : memref<1x1x1024xf32, #tpu.memory_space<vmem>>, vector<1x1x1024xf32>
    %get3A_101 = vector.shape_cast %get3A_100 : vector<1x1x1024xf32> to vector<1x1024xf32>
    %swap3A_102 = arith.constant 0 : index
    %swap3A_103 = arith.constant 9 : index
    %swap3A_104 = arith.constant 0 : index
    %swap3A_105 = vector.load %arg18[%swap3A_102, %swap3A_103, %swap3A_104] : memref<1x16x1024xf32, #tpu.memory_space<vmem>>, vector<1x1x1024xf32>
    %swap3A_106 = vector.shape_cast %swap3A_105 : vector<1x1x1024xf32> to vector<1x1024xf32>
    %swap3A_107 = vector.shape_cast %get3A_101 : vector<1x1024xf32> to vector<1x1x1024xf32>
    tpu.vector_store %arg18[%swap3A_102, %swap3A_103, %swap3A_104], %swap3A_107 {strides = array<i32>} : memref<1x16x1024xf32, #tpu.memory_space<vmem>>, vector<1x1x1024xf32>,
    %get3A_108 = arith.constant 0 : index
    %get3A_109 = arith.constant 0 : index
    %get3A_110 = arith.constant 0 : index
    %get3A_111 = vector.load %arg12[%get3A_108, %get3A_109, %get3A_110] : memref<1x1x1024xf32, #tpu.memory_space<vmem>>, vector<1x1x1024xf32>
    %get3A_112 = vector.shape_cast %get3A_111 : vector<1x1x1024xf32> to vector<1x1024xf32>
    %swap3A_113 = arith.constant 0 : index
    %swap3A_114 = arith.constant 10 : index
    %swap3A_115 = arith.constant 0 : index
    %swap3A_116 = vector.load %arg18[%swap3A_113, %swap3A_114, %swap3A_115] : memref<1x16x1024xf32, #tpu.memory_space<vmem>>, vector<1x1x1024xf32>
    %swap3A_117 = vector.shape_cast %swap3A_116 : vector<1x1x1024xf32> to vector<1x1024xf32>
    %swap3A_118 = vector.shape_cast %get3A_112 : vector<1x1024xf32> to vector<1x1x1024xf32>
    tpu.vector_store %arg18[%swap3A_113, %swap3A_114, %swap3A_115], %swap3A_118 {strides = array<i32>} : memref<1x16x1024xf32, #tpu.memory_space<vmem>>, vector<1x1x1024xf32>,
    %get3A_119 = arith.constant 0 : index
    %get3A_120 = arith.constant 0 : index
    %get3A_121 = arith.constant 0 : index
    %get3A_122 = vector.load %arg13[%get3A_119, %get3A_120, %get3A_121] : memref<1x1x1024xf32, #tpu.memory_space<vmem>>, vector<1x1x1024xf32>
    %get3A_123 = vector.shape_cast %get3A_122 : vector<1x1x1024xf32> to vector<1x1024xf32>
    %swap3A_124 = arith.constant 0 : index
    %swap3A_125 = arith.constant 11 : index
    %swap3A_126 = arith.constant 0 : index
    %swap3A_127 = vector.load %arg18[%swap3A_124, %swap3A_125, %swap3A_126] : memref<1x16x1024xf32, #tpu.memory_space<vmem>>, vector<1x1x1024xf32>
    %swap3A_128 = vector.shape_cast %swap3A_127 : vector<1x1x1024xf32> to vector<1x1024xf32>
    %swap3A_129 = vector.shape_cast %get3A_123 : vector<1x1024xf32> to vector<1x1x1024xf32>
    tpu.vector_store %arg18[%swap3A_124, %swap3A_125, %swap3A_126], %swap3A_129 {strides = array<i32>} : memref<1x16x1024xf32, #tpu.memory_space<vmem>>, vector<1x1x1024xf32>,
    %get3A_130 = arith.constant 0 : index
    %get3A_131 = arith.constant 0 : index
    %get3A_132 = arith.constant 0 : index
    %get3A_133 = vector.load %arg14[%get3A_130, %get3A_131, %get3A_132] : memref<1x1x1024xf32, #tpu.memory_space<vmem>>, vector<1x1x1024xf32>
    %get3A_134 = vector.shape_cast %get3A_133 : vector<1x1x1024xf32> to vector<1x1024xf32>
    %swap3A_135 = arith.constant 0 : index
    %swap3A_136 = arith.constant 12 : index
    %swap3A_137 = arith.constant 0 : index
    %swap3A_138 = vector.load %arg18[%swap3A_135, %swap3A_136, %swap3A_137] : memref<1x16x1024xf32, #tpu.memory_space<vmem>>, vector<1x1x1024xf32>
    %swap3A_139 = vector.shape_cast %swap3A_138 : vector<1x1x1024xf32> to vector<1x1024xf32>
    %swap3A_140 = vector.shape_cast %get3A_134 : vector<1x1024xf32> to vector<1x1x1024xf32>
    tpu.vector_store %arg18[%swap3A_135, %swap3A_136, %swap3A_137], %swap3A_140 {strides = array<i32>} : memref<1x16x1024xf32, #tpu.memory_space<vmem>>, vector<1x1x1024xf32>,
    %get3A_141 = arith.constant 0 : index
    %get3A_142 = arith.constant 0 : index
    %get3A_143 = arith.constant 0 : index
    %get3A_144 = vector.load %arg15[%get3A_141, %get3A_142, %get3A_143] : memref<1x1x1024xf32, #tpu.memory_space<vmem>>, vector<1x1x1024xf32>
    %get3A_145 = vector.shape_cast %get3A_144 : vector<1x1x1024xf32> to vector<1x1024xf32>
    %swap3A_146 = arith.constant 0 : index
    %swap3A_147 = arith.constant 13 : index
    %swap3A_148 = arith.constant 0 : index
    %swap3A_149 = vector.load %arg18[%swap3A_146, %swap3A_147, %swap3A_148] : memref<1x16x1024xf32, #tpu.memory_space<vmem>>, vector<1x1x1024xf32>
    %swap3A_150 = vector.shape_cast %swap3A_149 : vector<1x1x1024xf32> to vector<1x1024xf32>
    %swap3A_151 = vector.shape_cast %get3A_145 : vector<1x1024xf32> to vector<1x1x1024xf32>
    tpu.vector_store %arg18[%swap3A_146, %swap3A_147, %swap3A_148], %swap3A_151 {strides = array<i32>} : memref<1x16x1024xf32, #tpu.memory_space<vmem>>, vector<1x1x1024xf32>,
    %get3A_152 = arith.constant 0 : index
    %get3A_153 = arith.constant 0 : index
    %get3A_154 = arith.constant 0 : index
    %get3A_155 = vector.load %arg16[%get3A_152, %get3A_153, %get3A_154] : memref<1x1x1024xf32, #tpu.memory_space<vmem>>, vector<1x1x1024xf32>
    %get3A_156 = vector.shape_cast %get3A_155 : vector<1x1x1024xf32> to vector<1x1024xf32>
    %swap3A_157 = arith.constant 0 : index
    %swap3A_158 = arith.constant 14 : index
    %swap3A_159 = arith.constant 0 : index
    %swap3A_160 = vector.load %arg18[%swap3A_157, %swap3A_158, %swap3A_159] : memref<1x16x1024xf32, #tpu.memory_space<vmem>>, vector<1x1x1024xf32>
    %swap3A_161 = vector.shape_cast %swap3A_160 : vector<1x1x1024xf32> to vector<1x1024xf32>
    %swap3A_162 = vector.shape_cast %get3A_156 : vector<1x1024xf32> to vector<1x1x1024xf32>
    tpu.vector_store %arg18[%swap3A_157, %swap3A_158, %swap3A_159], %swap3A_162 {strides = array<i32>} : memref<1x16x1024xf32, #tpu.memory_space<vmem>>, vector<1x1x1024xf32>,
    %get3A_163 = arith.constant 0 : index
    %get3A_164 = arith.constant 0 : index
    %get3A_165 = arith.constant 0 : index
    %get3A_166 = vector.load %arg17[%get3A_163, %get3A_164, %get3A_165] : memref<1x1x1024xf32, #tpu.memory_space<vmem>>, vector<1x1x1024xf32>
    %get3A_167 = vector.shape_cast %get3A_166 : vector<1x1x1024xf32> to vector<1x1024xf32>
    %swap3A_168 = arith.constant 0 : index
    %swap3A_169 = arith.constant 15 : index
    %swap3A_170 = arith.constant 0 : index
    %swap3A_171 = vector.load %arg18[%swap3A_168, %swap3A_169, %swap3A_170] : memref<1x16x1024xf32, #tpu.memory_space<vmem>>, vector<1x1x1024xf32>
    %swap3A_172 = vector.shape_cast %swap3A_171 : vector<1x1x1024xf32> to vector<1x1024xf32>
    %swap3A_173 = vector.shape_cast %get3A_167 : vector<1x1024xf32> to vector<1x1x1024xf32>
    tpu.vector_store %arg18[%swap3A_168, %swap3A_169, %swap3A_170], %swap3A_173 {strides = array<i32>} : memref<1x16x1024xf32, #tpu.memory_space<vmem>>, vector<1x1x1024xf32>,
    return
  }
  func.func @transform_0(%arg0: i32, %arg1: memref<2048xi32, #tpu.memory_space<smem>>) -> (i32, i32, i32) {
    %mul3A = arith.constant 16 : i32
    %mul3A_0 = arith.muli %arg0, %mul3A : i32
    %add3A = arith.constant 0 : i32
    %add3A_1 = arith.addi %mul3A_0, %add3A : i32
    %get3A = arith.index_cast %add3A_1 : i32 to index
    %get3A_2 = memref.load %arg1[%get3A] : memref<2048xi32, #tpu.memory_space<smem>>
    %c0_i32 = arith.constant 0 : i32
    %c0_i32_3 = arith.constant 0 : i32
    %c0_i32_4 = arith.constant 0 : i32
    return %get3A_2, %c0_i32, %c0_i32_3 : i32, i32, i32
  }
  func.func @transform_1(%arg0: i32, %arg1: memref<2048xi32, #tpu.memory_space<smem>>) -> (i32, i32, i32) {
    %mul3A = arith.constant 16 : i32
    %mul3A_0 = arith.muli %arg0, %mul3A : i32
    %add3A = arith.constant 1 : i32
    %add3A_1 = arith.addi %mul3A_0, %add3A : i32
    %get3A = arith.index_cast %add3A_1 : i32 to index
    %get3A_2 = memref.load %arg1[%get3A] : memref<2048xi32, #tpu.memory_space<smem>>
    %c0_i32 = arith.constant 0 : i32
    %c0_i32_3 = arith.constant 0 : i32
    %c0_i32_4 = arith.constant 0 : i32
    return %get3A_2, %c0_i32, %c0_i32_3 : i32, i32, i32
  }
  func.func @transform_2(%arg0: i32, %arg1: memref<2048xi32, #tpu.memory_space<smem>>) -> (i32, i32, i32) {
    %mul3A = arith.constant 16 : i32
    %mul3A_0 = arith.muli %arg0, %mul3A : i32
    %add3A = arith.constant 2 : i32
    %add3A_1 = arith.addi %mul3A_0, %add3A : i32
    %get3A = arith.index_cast %add3A_1 : i32 to index
    %get3A_2 = memref.load %arg1[%get3A] : memref<2048xi32, #tpu.memory_space<smem>>
    %c0_i32 = arith.constant 0 : i32
    %c0_i32_3 = arith.constant 0 : i32
    %c0_i32_4 = arith.constant 0 : i32
    return %get3A_2, %c0_i32, %c0_i32_3 : i32, i32, i32
  }
  func.func @transform_3(%arg0: i32, %arg1: memref<2048xi32, #tpu.memory_space<smem>>) -> (i32, i32, i32) {
    %mul3A = arith.constant 16 : i32
    %mul3A_0 = arith.muli %arg0, %mul3A : i32
    %add3A = arith.constant 3 : i32
    %add3A_1 = arith.addi %mul3A_0, %add3A : i32
    %get3A = arith.index_cast %add3A_1 : i32 to index
    %get3A_2 = memref.load %arg1[%get3A] : memref<2048xi32, #tpu.memory_space<smem>>
    %c0_i32 = arith.constant 0 : i32
    %c0_i32_3 = arith.constant 0 : i32
    %c0_i32_4 = arith.constant 0 : i32
    return %get3A_2, %c0_i32, %c0_i32_3 : i32, i32, i32
  }
  func.func @transform_4(%arg0: i32, %arg1: memref<2048xi32, #tpu.memory_space<smem>>) -> (i32, i32, i32) {
    %mul3A = arith.constant 16 : i32
    %mul3A_0 = arith.muli %arg0, %mul3A : i32
    %add3A = arith.constant 4 : i32
    %add3A_1 = arith.addi %mul3A_0, %add3A : i32
    %get3A = arith.index_cast %add3A_1 : i32 to index
    %get3A_2 = memref.load %arg1[%get3A] : memref<2048xi32, #tpu.memory_space<smem>>
    %c0_i32 = arith.constant 0 : i32
    %c0_i32_3 = arith.constant 0 : i32
    %c0_i32_4 = arith.constant 0 : i32
    return %get3A_2, %c0_i32, %c0_i32_3 : i32, i32, i32
  }
  func.func @transform_5(%arg0: i32, %arg1: memref<2048xi32, #tpu.memory_space<smem>>) -> (i32, i32, i32) {
    %mul3A = arith.constant 16 : i32
    %mul3A_0 = arith.muli %arg0, %mul3A : i32
    %add3A = arith.constant 5 : i32
    %add3A_1 = arith.addi %mul3A_0, %add3A : i32
    %get3A = arith.index_cast %add3A_1 : i32 to index
    %get3A_2 = memref.load %arg1[%get3A] : memref<2048xi32, #tpu.memory_space<smem>>
    %c0_i32 = arith.constant 0 : i32
    %c0_i32_3 = arith.constant 0 : i32
    %c0_i32_4 = arith.constant 0 : i32
    return %get3A_2, %c0_i32, %c0_i32_3 : i32, i32, i32
  }
  func.func @transform_6(%arg0: i32, %arg1: memref<2048xi32, #tpu.memory_space<smem>>) -> (i32, i32, i32) {
    %mul3A = arith.constant 16 : i32
    %mul3A_0 = arith.muli %arg0, %mul3A : i32
    %add3A = arith.constant 6 : i32
    %add3A_1 = arith.addi %mul3A_0, %add3A : i32
    %get3A = arith.index_cast %add3A_1 : i32 to index
    %get3A_2 = memref.load %arg1[%get3A] : memref<2048xi32, #tpu.memory_space<smem>>
    %c0_i32 = arith.constant 0 : i32
    %c0_i32_3 = arith.constant 0 : i32
    %c0_i32_4 = arith.constant 0 : i32
    return %get3A_2, %c0_i32, %c0_i32_3 : i32, i32, i32
  }
  func.func @transform_7(%arg0: i32, %arg1: memref<2048xi32, #tpu.memory_space<smem>>) -> (i32, i32, i32) {
    %mul3A = arith.constant 16 : i32
    %mul3A_0 = arith.muli %arg0, %mul3A : i32
    %add3A = arith.constant 7 : i32
    %add3A_1 = arith.addi %mul3A_0, %add3A : i32
    %get3A = arith.index_cast %add3A_1 : i32 to index
    %get3A_2 = memref.load %arg1[%get3A] : memref<2048xi32, #tpu.memory_space<smem>>
    %c0_i32 = arith.constant 0 : i32
    %c0_i32_3 = arith.constant 0 : i32
    %c0_i32_4 = arith.constant 0 : i32
    return %get3A_2, %c0_i32, %c0_i32_3 : i32, i32, i32
  }
  func.func @transform_8(%arg0: i32, %arg1: memref<2048xi32, #tpu.memory_space<smem>>) -> (i32, i32, i32) {
    %mul3A = arith.constant 16 : i32
    %mul3A_0 = arith.muli %arg0, %mul3A : i32
    %add3A = arith.constant 8 : i32
    %add3A_1 = arith.addi %mul3A_0, %add3A : i32
    %get3A = arith.index_cast %add3A_1 : i32 to index
    %get3A_2 = memref.load %arg1[%get3A] : memref<2048xi32, #tpu.memory_space<smem>>
    %c0_i32 = arith.constant 0 : i32
    %c0_i32_3 = arith.constant 0 : i32
    %c0_i32_4 = arith.constant 0 : i32
    return %get3A_2, %c0_i32, %c0_i32_3 : i32, i32, i32
  }
  func.func @transform_9(%arg0: i32, %arg1: memref<2048xi32, #tpu.memory_space<smem>>) -> (i32, i32, i32) {
    %mul3A = arith.constant 16 : i32
    %mul3A_0 = arith.muli %arg0, %mul3A : i32
    %add3A = arith.constant 9 : i32
    %add3A_1 = arith.addi %mul3A_0, %add3A : i32
    %get3A = arith.index_cast %add3A_1 : i32 to index
    %get3A_2 = memref.load %arg1[%get3A] : memref<2048xi32, #tpu.memory_space<smem>>
    %c0_i32 = arith.constant 0 : i32
    %c0_i32_3 = arith.constant 0 : i32
    %c0_i32_4 = arith.constant 0 : i32
    return %get3A_2, %c0_i32, %c0_i32_3 : i32, i32, i32
  }
  func.func @transform_10(%arg0: i32, %arg1: memref<2048xi32, #tpu.memory_space<smem>>) -> (i32, i32, i32) {
    %mul3A = arith.constant 16 : i32
    %mul3A_0 = arith.muli %arg0, %mul3A : i32
    %add3A = arith.constant 10 : i32
    %add3A_1 = arith.addi %mul3A_0, %add3A : i32
    %get3A = arith.index_cast %add3A_1 : i32 to index
    %get3A_2 = memref.load %arg1[%get3A] : memref<2048xi32, #tpu.memory_space<smem>>
    %c0_i32 = arith.constant 0 : i32
    %c0_i32_3 = arith.constant 0 : i32
    %c0_i32_4 = arith.constant 0 : i32
    return %get3A_2, %c0_i32, %c0_i32_3 : i32, i32, i32
  }
  func.func @transform_11(%arg0: i32, %arg1: memref<2048xi32, #tpu.memory_space<smem>>) -> (i32, i32, i32) {
    %mul3A = arith.constant 16 : i32
    %mul3A_0 = arith.muli %arg0, %mul3A : i32
    %add3A = arith.constant 11 : i32
    %add3A_1 = arith.addi %mul3A_0, %add3A : i32
    %get3A = arith.index_cast %add3A_1 : i32 to index
    %get3A_2 = memref.load %arg1[%get3A] : memref<2048xi32, #tpu.memory_space<smem>>
    %c0_i32 = arith.constant 0 : i32
    %c0_i32_3 = arith.constant 0 : i32
    %c0_i32_4 = arith.constant 0 : i32
    return %get3A_2, %c0_i32, %c0_i32_3 : i32, i32, i32
  }
  func.func @transform_12(%arg0: i32, %arg1: memref<2048xi32, #tpu.memory_space<smem>>) -> (i32, i32, i32) {
    %mul3A = arith.constant 16 : i32
    %mul3A_0 = arith.muli %arg0, %mul3A : i32
    %add3A = arith.constant 12 : i32
    %add3A_1 = arith.addi %mul3A_0, %add3A : i32
    %get3A = arith.index_cast %add3A_1 : i32 to index
    %get3A_2 = memref.load %arg1[%get3A] : memref<2048xi32, #tpu.memory_space<smem>>
    %c0_i32 = arith.constant 0 : i32
    %c0_i32_3 = arith.constant 0 : i32
    %c0_i32_4 = arith.constant 0 : i32
    return %get3A_2, %c0_i32, %c0_i32_3 : i32, i32, i32
  }
  func.func @transform_13(%arg0: i32, %arg1: memref<2048xi32, #tpu.memory_space<smem>>) -> (i32, i32, i32) {
    %mul3A = arith.constant 16 : i32
    %mul3A_0 = arith.muli %arg0, %mul3A : i32
    %add3A = arith.constant 13 : i32
    %add3A_1 = arith.addi %mul3A_0, %add3A : i32
    %get3A = arith.index_cast %add3A_1 : i32 to index
    %get3A_2 = memref.load %arg1[%get3A] : memref<2048xi32, #tpu.memory_space<smem>>
    %c0_i32 = arith.constant 0 : i32
    %c0_i32_3 = arith.constant 0 : i32
    %c0_i32_4 = arith.constant 0 : i32
    return %get3A_2, %c0_i32, %c0_i32_3 : i32, i32, i32
  }
  func.func @transform_14(%arg0: i32, %arg1: memref<2048xi32, #tpu.memory_space<smem>>) -> (i32, i32, i32) {
    %mul3A = arith.constant 16 : i32
    %mul3A_0 = arith.muli %arg0, %mul3A : i32
    %add3A = arith.constant 14 : i32
    %add3A_1 = arith.addi %mul3A_0, %add3A : i32
    %get3A = arith.index_cast %add3A_1 : i32 to index
    %get3A_2 = memref.load %arg1[%get3A] : memref<2048xi32, #tpu.memory_space<smem>>
    %c0_i32 = arith.constant 0 : i32
    %c0_i32_3 = arith.constant 0 : i32
    %c0_i32_4 = arith.constant 0 : i32
    return %get3A_2, %c0_i32, %c0_i32_3 : i32, i32, i32
  }
  func.func @transform_15(%arg0: i32, %arg1: memref<2048xi32, #tpu.memory_space<smem>>) -> (i32, i32, i32) {
    %mul3A = arith.constant 16 : i32
    %mul3A_0 = arith.muli %arg0, %mul3A : i32
    %add3A = arith.constant 15 : i32
    %add3A_1 = arith.addi %mul3A_0, %add3A : i32
    %get3A = arith.index_cast %add3A_1 : i32 to index
    %get3A_2 = memref.load %arg1[%get3A] : memref<2048xi32, #tpu.memory_space<smem>>
    %c0_i32 = arith.constant 0 : i32
    %c0_i32_3 = arith.constant 0 : i32
    %c0_i32_4 = arith.constant 0 : i32
    return %get3A_2, %c0_i32, %c0_i32_3 : i32, i32, i32
  }
  func.func @transform_16(%arg0: i32, %arg1: memref<2048xi32, #tpu.memory_space<smem>>) -> (i32, i32, i32) {
    %c0_i32 = arith.constant 0 : i32
    %c0_i32_0 = arith.constant 0 : i32
    %c0_i32_1 = arith.constant 0 : i32
    return %arg0, %c0_i32, %c0_i32_0 : i32, i32, i32
  }
}

module attributes {stable_mosaic.version = 14 : i64} {
  func.func @_proj_body(%arg0: i32, %arg1: memref<256x1024xf32, #tpu.memory_space<vmem>>, %arg2: memref<1024x1024xf32, #tpu.memory_space<vmem>>, %arg3: memref<1024x576xf32, #tpu.memory_space<vmem>>, %arg4: memref<576x1024xf32, #tpu.memory_space<vmem>>, %arg5: memref<576x1024xf32, #tpu.memory_space<vmem>>, %arg6: memref<256x1024xf32, #tpu.memory_space<vmem>>, %arg7: memref<256x1024xf32, #tpu.memory_space<vmem>>, %arg8: memref<256x1024xf32, #tpu.memory_space<vmem>>) attributes {dimension_semantics = [#tpu.dimension_semantics<arbitrary>], iteration_bounds = array<i64: 8>, scalar_prefetch = 0 : i64, scratch_operands = 0 : i64, tpu.core_type = #tpu.core_type<tc>, window_params = [{transform_indices = @transform_0, window_bounds = array<i64: 256, 1024>}, {pipeline_mode = #tpu.pipeline_mode<synchronous>, transform_indices = @transform_1, window_bounds = array<i64: 1024, 1024>}, {pipeline_mode = #tpu.pipeline_mode<synchronous>, transform_indices = @transform_2, window_bounds = array<i64: 1024, 576>}, {pipeline_mode = #tpu.pipeline_mode<synchronous>, transform_indices = @transform_3, window_bounds = array<i64: 576, 1024>}, {pipeline_mode = #tpu.pipeline_mode<synchronous>, transform_indices = @transform_4, window_bounds = array<i64: 576, 1024>}, {transform_indices = @transform_5, window_bounds = array<i64: 256, 1024>}, {transform_indices = @transform_6, window_bounds = array<i64: 256, 1024>}, {transform_indices = @transform_7, window_bounds = array<i64: 256, 1024>}]} {
    %get3A = arith.constant 0 : index
    %get3A_0 = arith.constant 0 : index
    %get3A_1 = vector.load %arg1[%get3A, %get3A_0] : memref<256x1024xf32, #tpu.memory_space<vmem>>, vector<256x1024xf32>
    %get3A_2 = arith.constant 0 : index
    %get3A_3 = arith.constant 0 : index
    %get3A_4 = vector.load %arg2[%get3A_2, %get3A_3] : memref<1024x1024xf32, #tpu.memory_space<vmem>>, vector<1024x1024xf32>
    %dot_general3A = arith.constant dense<0.000000e+00> : vector<256x1024xf32>
    %dot_general3A_5 = tpu.matmul %get3A_1, %get3A_4, %dot_general3A {dimension_numbers = #tpu.dot_dimension_numbers<[1], [0], [0], [1], [0, 0, 1, 1], [], []>, transpose_lhs_hint = false} : vector<256x1024xf32>, vector<1024x1024xf32>, vector<256x1024xf32> -> vector<256x1024xf32>
    %swap3A = arith.constant 0 : index
    %swap3A_6 = arith.constant 0 : index
    %swap3A_7 = vector.load %arg6[%swap3A, %swap3A_6] : memref<256x1024xf32, #tpu.memory_space<vmem>>, vector<256x1024xf32>
    tpu.vector_store %arg6[%swap3A, %swap3A_6], %dot_general3A_5 {strides = array<i32>} : memref<256x1024xf32, #tpu.memory_space<vmem>>, vector<256x1024xf32>,
    %get3A_8 = arith.constant 0 : index
    %get3A_9 = arith.constant 0 : index
    %get3A_10 = vector.load %arg3[%get3A_8, %get3A_9] : memref<1024x576xf32, #tpu.memory_space<vmem>>, vector<1024x576xf32>
    %dot_general3A_11 = arith.constant dense<0.000000e+00> : vector<256x576xf32>
    %dot_general3A_12 = tpu.matmul %get3A_1, %get3A_10, %dot_general3A_11 {dimension_numbers = #tpu.dot_dimension_numbers<[1], [0], [0], [1], [0, 0, 1, 1], [], []>, transpose_lhs_hint = false} : vector<256x1024xf32>, vector<1024x576xf32>, vector<256x576xf32> -> vector<256x576xf32>
    %get3A_13 = arith.constant 0 : index
    %get3A_14 = arith.constant 0 : index
    %get3A_15 = vector.load %arg4[%get3A_13, %get3A_14] : memref<576x1024xf32, #tpu.memory_space<vmem>>, vector<576x1024xf32>
    %dot_general3A_16 = arith.constant dense<0.000000e+00> : vector<256x1024xf32>
    %dot_general3A_17 = tpu.matmul %dot_general3A_12, %get3A_15, %dot_general3A_16 {dimension_numbers = #tpu.dot_dimension_numbers<[1], [0], [0], [1], [0, 0, 1, 1], [], []>, transpose_lhs_hint = false} : vector<256x576xf32>, vector<576x1024xf32>, vector<256x1024xf32> -> vector<256x1024xf32>
    %swap3A_18 = arith.constant 0 : index
    %swap3A_19 = arith.constant 0 : index
    %swap3A_20 = vector.load %arg7[%swap3A_18, %swap3A_19] : memref<256x1024xf32, #tpu.memory_space<vmem>>, vector<256x1024xf32>
    tpu.vector_store %arg7[%swap3A_18, %swap3A_19], %dot_general3A_17 {strides = array<i32>} : memref<256x1024xf32, #tpu.memory_space<vmem>>, vector<256x1024xf32>,
    %get3A_21 = arith.constant 0 : index
    %get3A_22 = arith.constant 0 : index
    %get3A_23 = vector.load %arg5[%get3A_21, %get3A_22] : memref<576x1024xf32, #tpu.memory_space<vmem>>, vector<576x1024xf32>
    %dot_general3A_24 = arith.constant dense<0.000000e+00> : vector<256x1024xf32>
    %dot_general3A_25 = tpu.matmul %dot_general3A_12, %get3A_23, %dot_general3A_24 {dimension_numbers = #tpu.dot_dimension_numbers<[1], [0], [0], [1], [0, 0, 1, 1], [], []>, transpose_lhs_hint = false} : vector<256x576xf32>, vector<576x1024xf32>, vector<256x1024xf32> -> vector<256x1024xf32>
    %swap3A_26 = arith.constant 0 : index
    %swap3A_27 = arith.constant 0 : index
    %swap3A_28 = vector.load %arg8[%swap3A_26, %swap3A_27] : memref<256x1024xf32, #tpu.memory_space<vmem>>, vector<256x1024xf32>
    tpu.vector_store %arg8[%swap3A_26, %swap3A_27], %dot_general3A_25 {strides = array<i32>} : memref<256x1024xf32, #tpu.memory_space<vmem>>, vector<256x1024xf32>,
    return
  }
  func.func @transform_0(%arg0: i32) -> (i32, i32) {
    %c0_i32 = arith.constant 0 : i32
    %c0_i32_0 = arith.constant 0 : i32
    return %arg0, %c0_i32 : i32, i32
  }
  func.func @transform_1(%arg0: i32) -> (i32, i32) {
    %c0_i32 = arith.constant 0 : i32
    %c0_i32_0 = arith.constant 0 : i32
    %c0_i32_1 = arith.constant 0 : i32
    return %c0_i32, %c0_i32_0 : i32, i32
  }
  func.func @transform_2(%arg0: i32) -> (i32, i32) {
    %c0_i32 = arith.constant 0 : i32
    %c0_i32_0 = arith.constant 0 : i32
    %c0_i32_1 = arith.constant 0 : i32
    return %c0_i32, %c0_i32_0 : i32, i32
  }
  func.func @transform_3(%arg0: i32) -> (i32, i32) {
    %c0_i32 = arith.constant 0 : i32
    %c0_i32_0 = arith.constant 0 : i32
    %c0_i32_1 = arith.constant 0 : i32
    return %c0_i32, %c0_i32_0 : i32, i32
  }
  func.func @transform_4(%arg0: i32) -> (i32, i32) {
    %c0_i32 = arith.constant 0 : i32
    %c0_i32_0 = arith.constant 0 : i32
    %c0_i32_1 = arith.constant 0 : i32
    return %c0_i32, %c0_i32_0 : i32, i32
  }
  func.func @transform_5(%arg0: i32) -> (i32, i32) {
    %c0_i32 = arith.constant 0 : i32
    %c0_i32_0 = arith.constant 0 : i32
    return %arg0, %c0_i32 : i32, i32
  }
  func.func @transform_6(%arg0: i32) -> (i32, i32) {
    %c0_i32 = arith.constant 0 : i32
    %c0_i32_0 = arith.constant 0 : i32
    return %arg0, %c0_i32 : i32, i32
  }
  func.func @transform_7(%arg0: i32) -> (i32, i32) {
    %c0_i32 = arith.constant 0 : i32
    %c0_i32_0 = arith.constant 0 : i32
    return %arg0, %c0_i32 : i32, i32
  }
}

module attributes {stable_mosaic.version = 14 : i64} {
  func.func @_attn_body(%arg0: i32, %arg1: i32, %arg2: memref<1x256x64xf32, #tpu.memory_space<vmem>>, %arg3: memref<1x2048x64xf32, #tpu.memory_space<vmem>>, %arg4: memref<1x2048x64xf32, #tpu.memory_space<vmem>>, %arg5: memref<1x256x64xf32, #tpu.memory_space<vmem>>) attributes {dimension_semantics = [#tpu.dimension_semantics<arbitrary>, #tpu.dimension_semantics<arbitrary>], iteration_bounds = array<i64: 16, 8>, scalar_prefetch = 0 : i64, scratch_operands = 0 : i64, tpu.core_type = #tpu.core_type<tc>, window_params = [{transform_indices = @transform_0, window_bounds = array<i64: 1, 256, 64>}, {transform_indices = @transform_1, window_bounds = array<i64: 1, 2048, 64>}, {transform_indices = @transform_2, window_bounds = array<i64: 1, 2048, 64>}, {transform_indices = @transform_3, window_bounds = array<i64: 1, 256, 64>}]} {
    %get3A = arith.constant 0 : index
    %get3A_0 = arith.constant 0 : index
    %get3A_1 = arith.constant 0 : index
    %get3A_2 = vector.load %arg2[%get3A, %get3A_0, %get3A_1] : memref<1x256x64xf32, #tpu.memory_space<vmem>>, vector<1x256x64xf32>
    %get3A_3 = vector.shape_cast %get3A_2 : vector<1x256x64xf32> to vector<256x64xf32>
    %get3A_4 = arith.constant 0 : index
    %get3A_5 = arith.constant 0 : index
    %get3A_6 = arith.constant 0 : index
    %get3A_7 = vector.load %arg3[%get3A_4, %get3A_5, %get3A_6] : memref<1x2048x64xf32, #tpu.memory_space<vmem>>, vector<1x2048x64xf32>
    %get3A_8 = vector.shape_cast %get3A_7 : vector<1x2048x64xf32> to vector<2048x64xf32>
    %transpose3A = tpu.transpose %get3A_8, [1, 0] : vector<2048x64xf32> -> vector<64x2048xf32>
    %dot_general3A = arith.constant dense<0.000000e+00> : vector<256x2048xf32>
    %dot_general3A_9 = tpu.matmul %get3A_3, %transpose3A, %dot_general3A {dimension_numbers = #tpu.dot_dimension_numbers<[1], [0], [0], [1], [0, 0, 1, 1], [], []>, transpose_lhs_hint = false} : vector<256x64xf32>, vector<64x2048xf32>, vector<256x2048xf32> -> vector<256x2048xf32>
    %sqrt3A = arith.constant 6.400000e+01 : f32
    %sqrt3A_10 = math.sqrt %sqrt3A : f32
    %div3A = vector.broadcast %sqrt3A_10 : f32 to vector<256x2048xf32>
    %div3A_11 = arith.divf %dot_general3A_9, %div3A : vector<256x2048xf32>
    %mul3A = arith.constant 256 : i32
    %mul3A_12 = arith.muli %arg1, %mul3A : i32
    %iota3A = tpu.iota {dimensions = array<i32: 0>} : vector<256x2048xi32>
    %add3A = vector.broadcast %mul3A_12 : i32 to vector<256x2048xi32>
    %add3A_13 = arith.addi %add3A, %iota3A : vector<256x2048xi32>
    %iota3A_14 = tpu.iota {dimensions = array<i32: 1>} : vector<256x2048xi32>
    %le3A = arith.cmpi sle, %iota3A_14, %add3A_13 : vector<256x2048xi32>
    %jit3A = arith.constant -1.000000e+09 : f32
    %broadcast_in_dim3A = vector.broadcast %jit3A : f32 to vector<256x2048xf32>
    %select_n3A = arith.select %le3A, %div3A_11, %broadcast_in_dim3A : vector<256x2048xi1>, vector<256x2048xf32>
    %reduce_max3A = arith.constant dense<0xFF800000> : vector<256xf32>
    %reduce_max3A_15 = vector.multi_reduction <maximumf>, %select_n3A, %reduce_max3A [1] : vector<256x2048xf32> to vector<256xf32>
    %broadcast_in_dim3A_16 = vector.shape_cast %reduce_max3A_15 : vector<256xf32> to vector<256x1xf32>
    %sub3A = vector.broadcast %broadcast_in_dim3A_16 : vector<256x1xf32> to vector<256x2048xf32>
    %sub3A_17 = arith.subf %select_n3A, %sub3A : vector<256x2048xf32>
    %exp3A = math.exp %sub3A_17 : vector<256x2048xf32>
    %get3A_18 = arith.constant 0 : index
    %get3A_19 = arith.constant 0 : index
    %get3A_20 = arith.constant 0 : index
    %get3A_21 = vector.load %arg4[%get3A_18, %get3A_19, %get3A_20] : memref<1x2048x64xf32, #tpu.memory_space<vmem>>, vector<1x2048x64xf32>
    %get3A_22 = vector.shape_cast %get3A_21 : vector<1x2048x64xf32> to vector<2048x64xf32>
    %dot_general3A_23 = arith.constant dense<0.000000e+00> : vector<256x64xf32>
    %dot_general3A_24 = tpu.matmul %exp3A, %get3A_22, %dot_general3A_23 {dimension_numbers = #tpu.dot_dimension_numbers<[1], [0], [0], [1], [0, 0, 1, 1], [], []>, transpose_lhs_hint = false} : vector<256x2048xf32>, vector<2048x64xf32>, vector<256x64xf32> -> vector<256x64xf32>
    %reduce_sum3A = arith.constant dense<0.000000e+00> : vector<256xf32>
    %reduce_sum3A_25 = vector.multi_reduction <add>, %exp3A, %reduce_sum3A [1] : vector<256x2048xf32> to vector<256xf32>
    %broadcast_in_dim3A_26 = vector.shape_cast %reduce_sum3A_25 : vector<256xf32> to vector<256x1xf32>
    %div3A_27 = vector.broadcast %broadcast_in_dim3A_26 : vector<256x1xf32> to vector<256x64xf32>
    %div3A_28 = arith.divf %dot_general3A_24, %div3A_27 : vector<256x64xf32>
    %swap3A = arith.constant 0 : index
    %swap3A_29 = arith.constant 0 : index
    %swap3A_30 = arith.constant 0 : index
    %swap3A_31 = vector.load %arg5[%swap3A, %swap3A_29, %swap3A_30] : memref<1x256x64xf32, #tpu.memory_space<vmem>>, vector<1x256x64xf32>
    %swap3A_32 = vector.shape_cast %swap3A_31 : vector<1x256x64xf32> to vector<256x64xf32>
    %swap3A_33 = vector.shape_cast %div3A_28 : vector<256x64xf32> to vector<1x256x64xf32>
    tpu.vector_store %arg5[%swap3A, %swap3A_29, %swap3A_30], %swap3A_33 {strides = array<i32>} : memref<1x256x64xf32, #tpu.memory_space<vmem>>, vector<1x256x64xf32>,
    return
  }
  func.func @transform_0(%arg0: i32, %arg1: i32) -> (i32, i32, i32) {
    %c0_i32 = arith.constant 0 : i32
    %c0_i32_0 = arith.constant 0 : i32
    return %arg0, %arg1, %c0_i32 : i32, i32, i32
  }
  func.func @transform_1(%arg0: i32, %arg1: i32) -> (i32, i32, i32) {
    %c0_i32 = arith.constant 0 : i32
    %c0_i32_0 = arith.constant 0 : i32
    %c0_i32_1 = arith.constant 0 : i32
    return %arg0, %c0_i32, %c0_i32_0 : i32, i32, i32
  }
  func.func @transform_2(%arg0: i32, %arg1: i32) -> (i32, i32, i32) {
    %c0_i32 = arith.constant 0 : i32
    %c0_i32_0 = arith.constant 0 : i32
    %c0_i32_1 = arith.constant 0 : i32
    return %arg0, %c0_i32, %c0_i32_0 : i32, i32, i32
  }
  func.func @transform_3(%arg0: i32, %arg1: i32) -> (i32, i32, i32) {
    %c0_i32 = arith.constant 0 : i32
    %c0_i32_0 = arith.constant 0 : i32
    return %arg0, %arg1, %c0_i32 : i32, i32, i32
  }
}

module attributes {stable_mosaic.version = 14 : i64} {
  func.func @_outproj_body(%arg0: i32, %arg1: memref<256x1024xf32, #tpu.memory_space<vmem>>, %arg2: memref<1024x1024xf32, #tpu.memory_space<vmem>>, %arg3: memref<256x1024xf32, #tpu.memory_space<vmem>>, %arg4: memref<256x1024xf32, #tpu.memory_space<vmem>>) attributes {dimension_semantics = [#tpu.dimension_semantics<arbitrary>], iteration_bounds = array<i64: 8>, scalar_prefetch = 0 : i64, scratch_operands = 0 : i64, tpu.core_type = #tpu.core_type<tc>, window_params = [{transform_indices = @transform_0, window_bounds = array<i64: 256, 1024>}, {pipeline_mode = #tpu.pipeline_mode<synchronous>, transform_indices = @transform_1, window_bounds = array<i64: 1024, 1024>}, {transform_indices = @transform_2, window_bounds = array<i64: 256, 1024>}, {transform_indices = @transform_3, window_bounds = array<i64: 256, 1024>}]} {
    %get3A = arith.constant 0 : index
    %get3A_0 = arith.constant 0 : index
    %get3A_1 = vector.load %arg3[%get3A, %get3A_0] : memref<256x1024xf32, #tpu.memory_space<vmem>>, vector<256x1024xf32>
    %get3A_2 = arith.constant 0 : index
    %get3A_3 = arith.constant 0 : index
    %get3A_4 = vector.load %arg1[%get3A_2, %get3A_3] : memref<256x1024xf32, #tpu.memory_space<vmem>>, vector<256x1024xf32>
    %get3A_5 = arith.constant 0 : index
    %get3A_6 = arith.constant 0 : index
    %get3A_7 = vector.load %arg2[%get3A_5, %get3A_6] : memref<1024x1024xf32, #tpu.memory_space<vmem>>, vector<1024x1024xf32>
    %dot_general3A = arith.constant dense<0.000000e+00> : vector<256x1024xf32>
    %dot_general3A_8 = tpu.matmul %get3A_4, %get3A_7, %dot_general3A {dimension_numbers = #tpu.dot_dimension_numbers<[1], [0], [0], [1], [0, 0, 1, 1], [], []>, transpose_lhs_hint = false} : vector<256x1024xf32>, vector<1024x1024xf32>, vector<256x1024xf32> -> vector<256x1024xf32>
    %add3A = arith.addf %get3A_1, %dot_general3A_8 : vector<256x1024xf32>
    %swap3A = arith.constant 0 : index
    %swap3A_9 = arith.constant 0 : index
    %swap3A_10 = vector.load %arg4[%swap3A, %swap3A_9] : memref<256x1024xf32, #tpu.memory_space<vmem>>, vector<256x1024xf32>
    tpu.vector_store %arg4[%swap3A, %swap3A_9], %add3A {strides = array<i32>} : memref<256x1024xf32, #tpu.memory_space<vmem>>, vector<256x1024xf32>,
    return
  }
  func.func @transform_0(%arg0: i32) -> (i32, i32) {
    %c0_i32 = arith.constant 0 : i32
    %c0_i32_0 = arith.constant 0 : i32
    return %arg0, %c0_i32 : i32, i32
  }
  func.func @transform_1(%arg0: i32) -> (i32, i32) {
    %c0_i32 = arith.constant 0 : i32
    %c0_i32_0 = arith.constant 0 : i32
    %c0_i32_1 = arith.constant 0 : i32
    return %c0_i32, %c0_i32_0 : i32, i32
  }
  func.func @transform_2(%arg0: i32) -> (i32, i32) {
    %c0_i32 = arith.constant 0 : i32
    %c0_i32_0 = arith.constant 0 : i32
    return %arg0, %c0_i32 : i32, i32
  }
  func.func @transform_3(%arg0: i32) -> (i32, i32) {
    %c0_i32 = arith.constant 0 : i32
    %c0_i32_0 = arith.constant 0 : i32
    return %arg0, %c0_i32 : i32, i32
  }
}

module attributes {stable_mosaic.version = 14 : i64} {
  func.func @_ffn_body(%arg0: i32, %arg1: memref<256x1024xf32, #tpu.memory_space<vmem>>, %arg2: memref<256x1024xf32, #tpu.memory_space<vmem>>, %arg3: memref<1024x1024xf32, #tpu.memory_space<vmem>>, %arg4: memref<1024x1024xf32, #tpu.memory_space<vmem>>, %arg5: memref<256x1024xf32, #tpu.memory_space<vmem>>) attributes {dimension_semantics = [#tpu.dimension_semantics<arbitrary>], iteration_bounds = array<i64: 8>, scalar_prefetch = 0 : i64, scratch_operands = 0 : i64, tpu.core_type = #tpu.core_type<tc>, window_params = [{transform_indices = @transform_0, window_bounds = array<i64: 256, 1024>}, {transform_indices = @transform_1, window_bounds = array<i64: 256, 1024>}, {pipeline_mode = #tpu.pipeline_mode<synchronous>, transform_indices = @transform_2, window_bounds = array<i64: 1024, 1024>}, {pipeline_mode = #tpu.pipeline_mode<synchronous>, transform_indices = @transform_3, window_bounds = array<i64: 1024, 1024>}, {transform_indices = @transform_4, window_bounds = array<i64: 256, 1024>}]} {
    %get3A = arith.constant 0 : index
    %get3A_0 = arith.constant 0 : index
    %get3A_1 = vector.load %arg1[%get3A, %get3A_0] : memref<256x1024xf32, #tpu.memory_space<vmem>>, vector<256x1024xf32>
    %get3A_2 = arith.constant 0 : index
    %get3A_3 = arith.constant 0 : index
    %get3A_4 = vector.load %arg3[%get3A_2, %get3A_3] : memref<1024x1024xf32, #tpu.memory_space<vmem>>, vector<1024x1024xf32>
    %dot_general3A = arith.constant dense<0.000000e+00> : vector<256x1024xf32>
    %dot_general3A_5 = tpu.matmul %get3A_1, %get3A_4, %dot_general3A {dimension_numbers = #tpu.dot_dimension_numbers<[1], [0], [0], [1], [0, 0, 1, 1], [], []>, transpose_lhs_hint = false} : vector<256x1024xf32>, vector<1024x1024xf32>, vector<256x1024xf32> -> vector<256x1024xf32>
    %max3A = arith.constant 0.000000e+00 : f32
    %max3A_6 = vector.broadcast %max3A : f32 to vector<256x1024xf32>
    %max3A_7 = arith.maximumf %dot_general3A_5, %max3A_6 : vector<256x1024xf32>
    %get3A_8 = arith.constant 0 : index
    %get3A_9 = arith.constant 0 : index
    %get3A_10 = vector.load %arg2[%get3A_8, %get3A_9] : memref<256x1024xf32, #tpu.memory_space<vmem>>, vector<256x1024xf32>
    %get3A_11 = arith.constant 0 : index
    %get3A_12 = arith.constant 0 : index
    %get3A_13 = vector.load %arg4[%get3A_11, %get3A_12] : memref<1024x1024xf32, #tpu.memory_space<vmem>>, vector<1024x1024xf32>
    %dot_general3A_14 = arith.constant dense<0.000000e+00> : vector<256x1024xf32>
    %dot_general3A_15 = tpu.matmul %max3A_7, %get3A_13, %dot_general3A_14 {dimension_numbers = #tpu.dot_dimension_numbers<[1], [0], [0], [1], [0, 0, 1, 1], [], []>, transpose_lhs_hint = false} : vector<256x1024xf32>, vector<1024x1024xf32>, vector<256x1024xf32> -> vector<256x1024xf32>
    %add3A = arith.addf %get3A_10, %dot_general3A_15 : vector<256x1024xf32>
    %swap3A = arith.constant 0 : index
    %swap3A_16 = arith.constant 0 : index
    %swap3A_17 = vector.load %arg5[%swap3A, %swap3A_16] : memref<256x1024xf32, #tpu.memory_space<vmem>>, vector<256x1024xf32>
    tpu.vector_store %arg5[%swap3A, %swap3A_16], %add3A {strides = array<i32>} : memref<256x1024xf32, #tpu.memory_space<vmem>>, vector<256x1024xf32>,
    return
  }
  func.func @transform_0(%arg0: i32) -> (i32, i32) {
    %c0_i32 = arith.constant 0 : i32
    %c0_i32_0 = arith.constant 0 : i32
    return %arg0, %c0_i32 : i32, i32
  }
  func.func @transform_1(%arg0: i32) -> (i32, i32) {
    %c0_i32 = arith.constant 0 : i32
    %c0_i32_0 = arith.constant 0 : i32
    return %arg0, %c0_i32 : i32, i32
  }
  func.func @transform_2(%arg0: i32) -> (i32, i32) {
    %c0_i32 = arith.constant 0 : i32
    %c0_i32_0 = arith.constant 0 : i32
    %c0_i32_1 = arith.constant 0 : i32
    return %c0_i32, %c0_i32_0 : i32, i32
  }
  func.func @transform_3(%arg0: i32) -> (i32, i32) {
    %c0_i32 = arith.constant 0 : i32
    %c0_i32_0 = arith.constant 0 : i32
    %c0_i32_1 = arith.constant 0 : i32
    return %c0_i32, %c0_i32_0 : i32, i32
  }
  func.func @transform_4(%arg0: i32) -> (i32, i32) {
    %c0_i32 = arith.constant 0 : i32
    %c0_i32_0 = arith.constant 0 : i32
    return %arg0, %c0_i32 : i32, i32
  }
}

module attributes {stable_mosaic.version = 14 : i64} {
  func.func @_moe_body(%arg0: i32, %arg1: i32, %arg2: memref<256x1024xf32, #tpu.memory_space<vmem>>, %arg3: memref<256x1024xf32, #tpu.memory_space<vmem>>, %arg4: memref<8x1024xf32, #tpu.memory_space<vmem>>, %arg5: memref<1x1024x1024xf32, #tpu.memory_space<vmem>>, %arg6: memref<1x1024x1024xf32, #tpu.memory_space<vmem>>, %arg7: memref<256x1024xf32, #tpu.memory_space<vmem>>, %arg8: memref<256x8xf32, #tpu.memory_space<vmem>>, %arg9: memref<256x2xi32, #tpu.memory_space<vmem>>, %arg10: memref<256x1024xf32, #tpu.memory_space<vmem>>) attributes {dimension_semantics = [#tpu.dimension_semantics<arbitrary>, #tpu.dimension_semantics<arbitrary>], iteration_bounds = array<i64: 8, 8>, scalar_prefetch = 0 : i64, scratch_operands = 1 : i64, tpu.core_type = #tpu.core_type<tc>, window_params = [{transform_indices = @transform_0, window_bounds = array<i64: 256, 1024>}, {transform_indices = @transform_1, window_bounds = array<i64: 256, 1024>}, {pipeline_mode = #tpu.pipeline_mode<synchronous>, transform_indices = @transform_2, window_bounds = array<i64: 8, 1024>}, {transform_indices = @transform_3, window_bounds = array<i64: 1, 1024, 1024>}, {transform_indices = @transform_4, window_bounds = array<i64: 1, 1024, 1024>}, {transform_indices = @transform_5, window_bounds = array<i64: 256, 1024>}, {transform_indices = @transform_6, window_bounds = array<i64: 256, 8>}, {transform_indices = @transform_7, window_bounds = array<i64: 256, 2>}]} {
    %get3A = arith.constant 0 : index
    %get3A_0 = arith.constant 0 : index
    %get3A_1 = vector.load %arg2[%get3A, %get3A_0] : memref<256x1024xf32, #tpu.memory_space<vmem>>, vector<256x1024xf32>
    %get3A_2 = arith.constant 0 : index
    %get3A_3 = arith.constant 0 : index
    %get3A_4 = vector.load %arg4[%get3A_2, %get3A_3] : memref<8x1024xf32, #tpu.memory_space<vmem>>, vector<8x1024xf32>
    %transpose3A = tpu.transpose %get3A_4, [1, 0] : vector<8x1024xf32> -> vector<1024x8xf32>
    %dot_general3A = arith.constant dense<0.000000e+00> : vector<256x8xf32>
    %dot_general3A_5 = tpu.matmul %get3A_1, %transpose3A, %dot_general3A {dimension_numbers = #tpu.dot_dimension_numbers<[1], [0], [0], [1], [0, 0, 1, 1], [], []>, transpose_lhs_hint = false} : vector<256x1024xf32>, vector<1024x8xf32>, vector<256x8xf32> -> vector<256x8xf32>
    %iota3A = tpu.iota {dimensions = array<i32: 1>} : vector<256x8xi32>
    %reduce_max3A = arith.constant dense<0xFF800000> : vector<256xf32>
    %reduce_max3A_6 = vector.multi_reduction <maximumf>, %dot_general3A_5, %reduce_max3A [1] : vector<256x8xf32> to vector<256xf32>
    %broadcast_in_dim3A = vector.shape_cast %reduce_max3A_6 : vector<256xf32> to vector<256x1xf32>
    %eq3A = vector.broadcast %broadcast_in_dim3A : vector<256x1xf32> to vector<256x8xf32>
    %eq3A_7 = arith.cmpf oeq, %dot_general3A_5, %eq3A : vector<256x8xf32>
    %jit3A = arith.constant 8 : i32
    %broadcast_in_dim3A_8 = vector.broadcast %jit3A : i32 to vector<256x8xi32>
    %select_n3A = arith.select %eq3A_7, %iota3A, %broadcast_in_dim3A_8 : vector<256x8xi1>, vector<256x8xi32>
    %reduce_min3A = arith.constant dense<2147483647> : vector<256xi32>
    %reduce_min3A_9 = vector.multi_reduction <minsi>, %select_n3A, %reduce_min3A [1] : vector<256x8xi32> to vector<256xi32>
    %broadcast_in_dim3A_10 = vector.shape_cast %reduce_min3A_9 : vector<256xi32> to vector<256x1xi32>
    %eq3A_11 = vector.broadcast %broadcast_in_dim3A_10 : vector<256x1xi32> to vector<256x8xi32>
    %eq3A_12 = arith.cmpi eq, %iota3A, %eq3A_11 : vector<256x8xi32>
    %jit3A_13 = arith.constant 0xFF800000 : f32
    %broadcast_in_dim3A_14 = vector.broadcast %jit3A_13 : f32 to vector<256x8xf32>
    %select_n3A_15 = arith.select %eq3A_12, %broadcast_in_dim3A_14, %dot_general3A_5 : vector<256x8xi1>, vector<256x8xf32>
    %reduce_max3A_16 = arith.constant dense<0xFF800000> : vector<256xf32>
    %reduce_max3A_17 = vector.multi_reduction <maximumf>, %select_n3A_15, %reduce_max3A_16 [1] : vector<256x8xf32> to vector<256xf32>
    %broadcast_in_dim3A_18 = vector.shape_cast %reduce_max3A_17 : vector<256xf32> to vector<256x1xf32>
    %eq3A_19 = vector.broadcast %broadcast_in_dim3A_18 : vector<256x1xf32> to vector<256x8xf32>
    %eq3A_20 = arith.cmpf oeq, %select_n3A_15, %eq3A_19 : vector<256x8xf32>
    %jit3A_21 = arith.constant 8 : i32
    %broadcast_in_dim3A_22 = vector.broadcast %jit3A_21 : i32 to vector<256x8xi32>
    %select_n3A_23 = arith.select %eq3A_20, %iota3A, %broadcast_in_dim3A_22 : vector<256x8xi1>, vector<256x8xi32>
    %reduce_min3A_24 = arith.constant dense<2147483647> : vector<256xi32>
    %reduce_min3A_25 = vector.multi_reduction <minsi>, %select_n3A_23, %reduce_min3A_24 [1] : vector<256x8xi32> to vector<256xi32>
    %broadcast_in_dim3A_26 = vector.shape_cast %reduce_min3A_25 : vector<256xi32> to vector<256x1xi32>
    %sub3A = arith.subf %broadcast_in_dim3A_18, %broadcast_in_dim3A : vector<256x1xf32>
    %exp3A = math.exp %sub3A : vector<256x1xf32>
    %add3A = arith.constant 1.000000e+00 : f32
    %add3A_27 = vector.broadcast %add3A : f32 to vector<256x1xf32>
    %add3A_28 = arith.addf %add3A_27, %exp3A : vector<256x1xf32>
    %div3A = arith.constant 1.000000e+00 : f32
    %div3A_29 = vector.broadcast %div3A : f32 to vector<256x1xf32>
    %div3A_30 = arith.divf %div3A_29, %add3A_28 : vector<256x1xf32>
    %div3A_31 = arith.divf %exp3A, %add3A_28 : vector<256x1xf32>
    %eq3A_32 = vector.broadcast %arg1 : i32 to vector<256x1xi32>
    %eq3A_33 = arith.cmpi eq, %broadcast_in_dim3A_10, %eq3A_32 : vector<256x1xi32>
    %jit3A_34 = arith.constant 0.000000e+00 : f32
    %broadcast_in_dim3A_35 = vector.broadcast %jit3A_34 : f32 to vector<256x1xf32>
    %select_n3A_36 = arith.select %eq3A_33, %div3A_30, %broadcast_in_dim3A_35 : vector<256x1xi1>, vector<256x1xf32>
    %eq3A_37 = vector.broadcast %arg1 : i32 to vector<256x1xi32>
    %eq3A_38 = arith.cmpi eq, %broadcast_in_dim3A_26, %eq3A_37 : vector<256x1xi32>
    %jit3A_39 = arith.constant 0.000000e+00 : f32
    %broadcast_in_dim3A_40 = vector.broadcast %jit3A_39 : f32 to vector<256x1xf32>
    %select_n3A_41 = arith.select %eq3A_38, %div3A_31, %broadcast_in_dim3A_40 : vector<256x1xi1>, vector<256x1xf32>
    %add3A_42 = arith.addf %select_n3A_36, %select_n3A_41 : vector<256x1xf32>
    %get3A_43 = arith.constant 0 : index
    %get3A_44 = arith.constant 0 : index
    %get3A_45 = arith.constant 0 : index
    %get3A_46 = vector.load %arg5[%get3A_43, %get3A_44, %get3A_45] : memref<1x1024x1024xf32, #tpu.memory_space<vmem>>, vector<1x1024x1024xf32>
    %get3A_47 = vector.shape_cast %get3A_46 : vector<1x1024x1024xf32> to vector<1024x1024xf32>
    %dot_general3A_48 = arith.constant dense<0.000000e+00> : vector<256x1024xf32>
    %dot_general3A_49 = tpu.matmul %get3A_1, %get3A_47, %dot_general3A_48 {dimension_numbers = #tpu.dot_dimension_numbers<[1], [0], [0], [1], [0, 0, 1, 1], [], []>, transpose_lhs_hint = false} : vector<256x1024xf32>, vector<1024x1024xf32>, vector<256x1024xf32> -> vector<256x1024xf32>
    %max3A = arith.constant 0.000000e+00 : f32
    %max3A_50 = vector.broadcast %max3A : f32 to vector<256x1024xf32>
    %max3A_51 = arith.maximumf %dot_general3A_49, %max3A_50 : vector<256x1024xf32>
    %get3A_52 = arith.constant 0 : index
    %get3A_53 = arith.constant 0 : index
    %get3A_54 = arith.constant 0 : index
    %get3A_55 = vector.load %arg6[%get3A_52, %get3A_53, %get3A_54] : memref<1x1024x1024xf32, #tpu.memory_space<vmem>>, vector<1x1024x1024xf32>
    %get3A_56 = vector.shape_cast %get3A_55 : vector<1x1024x1024xf32> to vector<1024x1024xf32>
    %dot_general3A_57 = arith.constant dense<0.000000e+00> : vector<256x1024xf32>
    %dot_general3A_58 = tpu.matmul %max3A_51, %get3A_56, %dot_general3A_57 {dimension_numbers = #tpu.dot_dimension_numbers<[1], [0], [0], [1], [0, 0, 1, 1], [], []>, transpose_lhs_hint = false} : vector<256x1024xf32>, vector<1024x1024xf32>, vector<256x1024xf32> -> vector<256x1024xf32>
    %mul3A = vector.broadcast %add3A_42 : vector<256x1xf32> to vector<256x1024xf32>
    %mul3A_59 = arith.mulf %dot_general3A_58, %mul3A : vector<256x1024xf32>
    %eq3A_60 = arith.constant 0 : i32
    %eq3A_61 = arith.cmpi eq, %arg1, %eq3A_60 : i32
    %convert_element_type3A = arith.extui %eq3A_61 : i1 to i32
    %cond3A = arith.constant 0 : i32
    %cond3A_62 = arith.cmpi ne, %convert_element_type3A, %cond3A : i32
    scf.if %cond3A_62 {
      %swap3A = arith.constant 0 : index
      %swap3A_72 = arith.constant 0 : index
      %swap3A_73 = vector.load %arg10[%swap3A, %swap3A_72] : memref<256x1024xf32, #tpu.memory_space<vmem>>, vector<256x1024xf32>
      tpu.vector_store %arg10[%swap3A, %swap3A_72], %mul3A_59 {strides = array<i32>} : memref<256x1024xf32, #tpu.memory_space<vmem>>, vector<256x1024xf32>,
      %swap3A_74 = arith.constant 0 : index
      %swap3A_75 = arith.constant 0 : index
      %swap3A_76 = vector.load %arg8[%swap3A_74, %swap3A_75] : memref<256x8xf32, #tpu.memory_space<vmem>>, vector<256x8xf32>
      tpu.vector_store %arg8[%swap3A_74, %swap3A_75], %dot_general3A_5 {strides = array<i32>} : memref<256x8xf32, #tpu.memory_space<vmem>>, vector<256x8xf32>,
      %iota3A_77 = tpu.iota {dimensions = array<i32: 1>} : vector<256x2xi32>
      %eq3A_78 = arith.constant 0 : i32
      %eq3A_79 = vector.broadcast %eq3A_78 : i32 to vector<256x2xi32>
      %eq3A_80 = arith.cmpi eq, %iota3A_77, %eq3A_79 : vector<256x2xi32>
      %broadcast_in_dim3A_81 = vector.shape_cast %broadcast_in_dim3A_10 : vector<256x1xi32> to vector<256x1xi32>
      %broadcast_in_dim3A_82 = vector.broadcast %broadcast_in_dim3A_81 : vector<256x1xi32> to vector<256x2xi32>
      %broadcast_in_dim3A_83 = vector.shape_cast %broadcast_in_dim3A_26 : vector<256x1xi32> to vector<256x1xi32>
      %broadcast_in_dim3A_84 = vector.broadcast %broadcast_in_dim3A_83 : vector<256x1xi32> to vector<256x2xi32>
      %select_n3A_85 = arith.select %eq3A_80, %broadcast_in_dim3A_82, %broadcast_in_dim3A_84 : vector<256x2xi1>, vector<256x2xi32>
      %swap3A_86 = arith.constant 0 : index
      %swap3A_87 = arith.constant 0 : index
      %swap3A_88 = vector.load %arg9[%swap3A_86, %swap3A_87] : memref<256x2xi32, #tpu.memory_space<vmem>>, vector<256x2xi32>
      tpu.vector_store %arg9[%swap3A_86, %swap3A_87], %select_n3A_85 {strides = array<i32>} : memref<256x2xi32, #tpu.memory_space<vmem>>, vector<256x2xi32>,
    } else {
    }
    %gt3A = arith.constant 0 : i32
    %gt3A_63 = arith.cmpi sgt, %arg1, %gt3A : i32
    %convert_element_type3A_64 = arith.extui %gt3A_63 : i1 to i32
    %cond3A_65 = arith.constant 0 : i32
    %cond3A_66 = arith.cmpi ne, %convert_element_type3A_64, %cond3A_65 : i32
    scf.if %cond3A_66 {
      %get3A_72 = arith.constant 0 : index
      %get3A_73 = arith.constant 0 : index
      %get3A_74 = vector.load %arg10[%get3A_72, %get3A_73] : memref<256x1024xf32, #tpu.memory_space<vmem>>, vector<256x1024xf32>
      %add3A_75 = arith.addf %get3A_74, %mul3A_59 : vector<256x1024xf32>
      %swap3A = arith.constant 0 : index
      %swap3A_76 = arith.constant 0 : index
      %swap3A_77 = vector.load %arg10[%swap3A, %swap3A_76] : memref<256x1024xf32, #tpu.memory_space<vmem>>, vector<256x1024xf32>
      tpu.vector_store %arg10[%swap3A, %swap3A_76], %add3A_75 {strides = array<i32>} : memref<256x1024xf32, #tpu.memory_space<vmem>>, vector<256x1024xf32>,
    } else {
    }
    %eq3A_67 = arith.constant 7 : i32
    %eq3A_68 = arith.cmpi eq, %arg1, %eq3A_67 : i32
    %convert_element_type3A_69 = arith.extui %eq3A_68 : i1 to i32
    %cond3A_70 = arith.constant 0 : i32
    %cond3A_71 = arith.cmpi ne, %convert_element_type3A_69, %cond3A_70 : i32
    scf.if %cond3A_71 {
      %get3A_72 = arith.constant 0 : index
      %get3A_73 = arith.constant 0 : index
      %get3A_74 = vector.load %arg3[%get3A_72, %get3A_73] : memref<256x1024xf32, #tpu.memory_space<vmem>>, vector<256x1024xf32>
      %get3A_75 = arith.constant 0 : index
      %get3A_76 = arith.constant 0 : index
      %get3A_77 = vector.load %arg10[%get3A_75, %get3A_76] : memref<256x1024xf32, #tpu.memory_space<vmem>>, vector<256x1024xf32>
      %add3A_78 = arith.addf %get3A_74, %get3A_77 : vector<256x1024xf32>
      %swap3A = arith.constant 0 : index
      %swap3A_79 = arith.constant 0 : index
      %swap3A_80 = vector.load %arg7[%swap3A, %swap3A_79] : memref<256x1024xf32, #tpu.memory_space<vmem>>, vector<256x1024xf32>
      tpu.vector_store %arg7[%swap3A, %swap3A_79], %add3A_78 {strides = array<i32>} : memref<256x1024xf32, #tpu.memory_space<vmem>>, vector<256x1024xf32>,
    } else {
    }
    return
  }
  func.func @transform_0(%arg0: i32, %arg1: i32) -> (i32, i32) {
    %c0_i32 = arith.constant 0 : i32
    %c0_i32_0 = arith.constant 0 : i32
    return %arg0, %c0_i32 : i32, i32
  }
  func.func @transform_1(%arg0: i32, %arg1: i32) -> (i32, i32) {
    %c0_i32 = arith.constant 0 : i32
    %c0_i32_0 = arith.constant 0 : i32
    return %arg0, %c0_i32 : i32, i32
  }
  func.func @transform_2(%arg0: i32, %arg1: i32) -> (i32, i32) {
    %c0_i32 = arith.constant 0 : i32
    %c0_i32_0 = arith.constant 0 : i32
    %c0_i32_1 = arith.constant 0 : i32
    return %c0_i32, %c0_i32_0 : i32, i32
  }
  func.func @transform_3(%arg0: i32, %arg1: i32) -> (i32, i32, i32) {
    %c0_i32 = arith.constant 0 : i32
    %c0_i32_0 = arith.constant 0 : i32
    %c0_i32_1 = arith.constant 0 : i32
    return %arg1, %c0_i32, %c0_i32_0 : i32, i32, i32
  }
  func.func @transform_4(%arg0: i32, %arg1: i32) -> (i32, i32, i32) {
    %c0_i32 = arith.constant 0 : i32
    %c0_i32_0 = arith.constant 0 : i32
    %c0_i32_1 = arith.constant 0 : i32
    return %arg1, %c0_i32, %c0_i32_0 : i32, i32, i32
  }
  func.func @transform_5(%arg0: i32, %arg1: i32) -> (i32, i32) {
    %c0_i32 = arith.constant 0 : i32
    %c0_i32_0 = arith.constant 0 : i32
    return %arg0, %c0_i32 : i32, i32
  }
  func.func @transform_6(%arg0: i32, %arg1: i32) -> (i32, i32) {
    %c0_i32 = arith.constant 0 : i32
    %c0_i32_0 = arith.constant 0 : i32
    return %arg0, %c0_i32 : i32, i32
  }
  func.func @transform_7(%arg0: i32, %arg1: i32) -> (i32, i32) {
    %c0_i32 = arith.constant 0 : i32
    %c0_i32_0 = arith.constant 0 : i32
    return %arg0, %c0_i32 : i32, i32
  }
}

module attributes {stable_mosaic.version = 14 : i64} {
  func.func @_lm_body(%arg0: i32, %arg1: memref<2048x1024xf32, #tpu.memory_space<vmem>>, %arg2: memref<1024x1024xf32, #tpu.memory_space<vmem>>, %arg3: memref<1x1024xf32, #tpu.memory_space<vmem>>, %arg4: memref<2048x1024xf32, #tpu.memory_space<vmem>>) attributes {dimension_semantics = [#tpu.dimension_semantics<arbitrary>], iteration_bounds = array<i64: 98>, scalar_prefetch = 0 : i64, scratch_operands = 0 : i64, tpu.core_type = #tpu.core_type<tc>, window_params = [{pipeline_mode = #tpu.pipeline_mode<synchronous>, transform_indices = @transform_0, window_bounds = array<i64: 2048, 1024>}, {transform_indices = @transform_1, window_bounds = array<i64: 1024, 1024>}, {transform_indices = @transform_2, window_bounds = array<i64: 1, 1024>}, {transform_indices = @transform_3, window_bounds = array<i64: 2048, 1024>}]} {
    %get3A = arith.constant 0 : index
    %get3A_0 = arith.constant 0 : index
    %get3A_1 = vector.load %arg1[%get3A, %get3A_0] : memref<2048x1024xf32, #tpu.memory_space<vmem>>, vector<2048x1024xf32>
    %get3A_2 = arith.constant 0 : index
    %get3A_3 = arith.constant 0 : index
    %get3A_4 = vector.load %arg2[%get3A_2, %get3A_3] : memref<1024x1024xf32, #tpu.memory_space<vmem>>, vector<1024x1024xf32>
    %dot_general3A = arith.constant dense<0.000000e+00> : vector<2048x1024xf32>
    %dot_general3A_5 = tpu.matmul %get3A_1, %get3A_4, %dot_general3A {dimension_numbers = #tpu.dot_dimension_numbers<[1], [0], [0], [1], [0, 0, 1, 1], [], []>, transpose_lhs_hint = false} : vector<2048x1024xf32>, vector<1024x1024xf32>, vector<2048x1024xf32> -> vector<2048x1024xf32>
    %get3A_6 = arith.constant 0 : index
    %get3A_7 = arith.constant 0 : index
    %get3A_8 = vector.load %arg3[%get3A_6, %get3A_7] : memref<1x1024xf32, #tpu.memory_space<vmem>>, vector<1x1024xf32>
    %add3A = vector.broadcast %get3A_8 : vector<1x1024xf32> to vector<2048x1024xf32>
    %add3A_9 = arith.addf %dot_general3A_5, %add3A : vector<2048x1024xf32>
    %swap3A = arith.constant 0 : index
    %swap3A_10 = arith.constant 0 : index
    %swap3A_11 = vector.load %arg4[%swap3A, %swap3A_10] : memref<2048x1024xf32, #tpu.memory_space<vmem>>, vector<2048x1024xf32>
    tpu.vector_store %arg4[%swap3A, %swap3A_10], %add3A_9 {strides = array<i32>} : memref<2048x1024xf32, #tpu.memory_space<vmem>>, vector<2048x1024xf32>,
    return
  }
  func.func @transform_0(%arg0: i32) -> (i32, i32) {
    %c0_i32 = arith.constant 0 : i32
    %c0_i32_0 = arith.constant 0 : i32
    %c0_i32_1 = arith.constant 0 : i32
    return %c0_i32, %c0_i32_0 : i32, i32
  }
  func.func @transform_1(%arg0: i32) -> (i32, i32) {
    %c0_i32 = arith.constant 0 : i32
    %c0_i32_0 = arith.constant 0 : i32
    return %c0_i32, %arg0 : i32, i32
  }
  func.func @transform_2(%arg0: i32) -> (i32, i32) {
    %c0_i32 = arith.constant 0 : i32
    %c0_i32_0 = arith.constant 0 : i32
    return %c0_i32, %arg0 : i32, i32
  }
  func.func @transform_3(%arg0: i32) -> (i32, i32) {
    %c0_i32 = arith.constant 0 : i32
    %c0_i32_0 = arith.constant 0 : i32
    return %c0_i32, %arg0 : i32, i32
  }
}

</mosaic_0001>

<sc_bundles>
// kernel: sparse-core-data-format-call.cloned.1.call-start
scs
called_computation_lowered:
.L_overlay_start_0:
0x0: {  	s2 =	sld [smem:$0x3FD9]  }
0x1: {  	s3 =	sld [smem:$0x3FFE];
	_ =	sdelay $0x1  }
0x2: {  	s1 =	srdreg.scid  }
0x3: {  	s0 =	sand.u32 $0x1, s1  }
0x4: {  	s15 =	sshll.u32 s0, $0xA;
	s2 =	sadd.s32 s3, s2  }
0x5: {  	s2 =	sadd.s32 s2, s15  }
0x6: {  	[smem:$0x3FB6] =	sst s2  }
0x7: {  	_ = 	snop  }
0x8: {  	s2 =	sld [smem:$0x3FD0];
	_ =	sdelay $0x2  }
0x9: {  	s16 =	simm.s32 $0xA;
	s4 =	simm.s32 $0x10  }
0xa: {  	[smem:s4], [sflag:s16] =	dma.local [hbm:s2], $0x1  }
0xb: {  	_ =	swait.eq [sflag:s16], $0x1  }
0xc: {  	[sflag:s16] =	ssyncset.done $0x0  }
0xd: {  	[sflag:s16] =	ssyncadd.s32 $0xFFFFFFFF  }
0xe: {  	s17 =	sld [smem:$0x10];
	(tm) =	ssettm $0x1  }
0xf: {  	s18 =	sld [smem:$0x3FFB];
	_ =	sdelay $0x3  }
0x10: {  	_ =	strace s18  }
0x11: {  	s3 =	sld [smem:$0x3FFC];
	_ =	sdelay $0x3  }
0x12: {  	_ =	strace s3  }
0x13: {  	s3 =	sld [smem:$0x3FFD];
	_ =	sdelay $0x3  }
0x14: {  	_ =	strace s3  }
0x15: {  	_ =	strace $0x8FFFFFFF  }
0x16: {  	s19 =	sld [smem:$0x3FDB];
	_ =	sdelay $0x1  }
0x17: {  	s20 =	simm.s32 $_scs_section_size  }
0x18: {  	s5 =	simm.s32 $_size__tile_overlayer_lowered;
	s6 =	simm.s32 $_tile_overlayer_lowered  }
0x19: {  	s23 =	simm.s32 $0x1BFF;
	s22 =	sshll.u32 s6, $0x1;
	s3 =	sadd.s32 s20, s19  }
0x1a: {  	s7 =	simm.s32 $0x0;
	s21 =	sshll.u32 s5, $0x1;
	s5 =	sadd.s32 s22, s3  }
0x1b: {  	[timem:s7], [sflag:s23] =	dma.local [hbm:s5], s21  }
0x1c: {  	_ =	swait.ge [sflag:s23], s21  }
0x1d: {  	s4 =	ssub.s32 $0x0, s21;
	[sflag:s23] =	ssyncset.done $0x0  }
0x1e: {  	[sflag:s23] =	ssyncadd.s32 s4;
	_ =	sdelay $0x1  }
0x1f: {  	s24 =	simm.s32 $0x1B8B  }
0x20: {  	_ =	swait.ge [sflag:s24], $0x1  }
0x21: {  	[sflag:s24] =	ssyncset.done $0x0  }
0x22: {  	s26 =	simm.s32 $0x1B8E;
	s25 =	sld [smem:$0x3FFE];
	[sflag:s24] =	ssyncadd.s32 $0xFFFFFFFF  }
0x23: {  	s27 =	simm.s32 $execute0_lowered;
	[smem:$0x3FD2] =	sst s26  }
0x24: {  	s5 =	sshll.u32 s27, $0x1;
	_ =	strace $0x80000046;
	[dreg:$0x1] =	wrdreg $0xFFFFFFFF  }
0x25: {  	s28 =	simm.s32 $_size_execute0_lowered;
	s3 =	sadd.s32 s3, s5;
	[dreg:$0x0] =	wrdreg $0x0  }
0x26: {  	s5 =	sshll.u32 s28, $0x1;
	[dreg:$0x2] =	wrdreg s3  }
0x27: {  	[dreg:$0x3] =	wrdreg s5  }
0x28: {  	[dreg:$0x4] =	wrdreg $0xC0  }
0x29: {  	_ =	task [dreg:s7], $0x5FFFF  }
0x2a: {  	[dreg:$0x1] =	wrdreg $0xFFFFFFFF  }
0x2b: {  	[dreg:$0x0] =	wrdreg $0x60  }
0x2c: {  	[dreg:$0x2] =	wrdreg s25  }
0x2d: {  	[dreg:$0x3] =	wrdreg s17  }
0x2e: {  	[dreg:$0x4] =	wrdreg $0x9  }
0x2f: {  	_ =	task.clear_ibuf [dreg:s7], $0x5FFFF;
	_ =	strace $0x90000046  }
0x30: {  	s29 =	simm.s32 $0x9;
	_ =	strace $0x80000048  }
0x31: {  	_ =	swait.ge [sflag:s29], $0x1  }
0x32: {  	[sflag:s29] =	ssyncadd.s32 $0xFFFFFFFF  }
0x33: {  	_ =	strace $0x90000048  }
0x34: {  	_ =	sfence  }
0x35: {  	s30 =	sld [smem:$0x0];
	_ =	sdelay $0x2  }
0x36: {  	s31 =	sshll.u32 s1, $0xD;
	s1 =	sshrl.u32 s1, $0x2  }
0x37: {  	s3 =	sand.u32 $0x4000, s31;
	s1 =	sadd.s32 s1, s30  }
0x38: {  	s0 =	sor.u32 s3, s0;
	s1 =	sshll.u32 s1, $0x11  }
0x39: {  	s0 =	sor.u32 s1, s0  }
0x3a: {  	s0 =	sadd.s32 $0x8F2B, s0  }
0x3b: {  	[sflag:s0] =	ssyncadd.remote.s32 $0x1  }
0x3c: {  	_ =	sfence.sel $0xFFFF  }
0x3d: {  	[dreg:$0x0] =	wrdreg $0xFFFFFFFF;
	(pc) =	sbr.abs _section_cstart, $3  }
0x3e: {  	[dreg:$0x1] =	wrdreg $0xFFFFFFFF  }
0x3f: {  	_ =	task.clear_ibuf [dreg:s7], $0x2FFFF;
	_ =	strace $0x9FFFFFFF  }
0x40: {  	(tm) =	ssettm $0x7FFFFFFF  }
0x41: {  	_ =	shalt  }
tec
execute0_lowered:
.L_overlay_start_1:
0x0: {  	(tag) =	ssettag $0x1  }
0x1: {  	s4 =	rddreg [dreg:$0x0]  }
0x2: {  	s0 =	stileid.u32;
	s3 =	rddreg [dreg:$0x1]  }
0x3: {  	s1 =	rddreg [dreg:$0x2];
	_ =	strace $0x80000047;
	s7 =	srdreg.scid  }
0x4: {  	s8 =	simm.s32 $0x2;
	s16 =	simm.s32 $0x0;
	s2 =	sshll.u32 s0, $0x7  }
0x5: {  	s9 =	simm.s32 $0x4000;
	s15 =	simm.s32 $0x0;
	s5 =	ssub.s32 $0x800, s2  }
0x6: {  	s10 =	simm.s32 $0x0;
	s11 =	simm.s32 $0x0;
	s6 =	sand.u32 $0x780, s5  }
0x7: {  	s14 =	simm.s32 $0x0;
	p0 =	sne.s32 s6, $0x0;
	s6 =	simm.s32 $0x1  }
.Ltmp0:
0x8: {  	s5 =	sshrl.u32 s5, $0xB;
	s6 =	simm.s32 @!p0 $0x0;
	(pc) =	sbr.rel .LBB1_1-.Ltmp0, $4  }
0x9: {  	s4 =	sadd.s32 $0x1B600, s4;
	s7 =	sshll.u32 s7, $0x7;
	s6 =	sadd.s32 s6, s5  }
0xa: {  	s7 =	sand.u32 $0x80, s7;
	s5 =	simm.s32 $0x1;
	s6 =	smul.u32 $0x187, s6  }
0xb: {  	s13 =	smov.u32 s2;
	s12 =	smov.u32 s7;
	[sflag:s5] =	ssyncpa.u1 $0x0  }
0xc: {  	p0 =	por $0x0, $0x0;
	[sflag:s8] =	ssyncpa.u1 $0x0;
	s8 =	sadd.s32 $0x1, s6  }
.LBB1_4:
0xd: {  	s21 =	sshra.s32 s21, $0x2;
	s26 =	sshll.u32 s10, $0xB  }
0xe: {  	s22 =	sand.u32 $0x78, s11;
	s23 =	sshll.u32 s11, $0x3;
	s25 =	sshll.u32 s10, $0x7  }
0xf: {  	p1 =	sgt.s32 s10, $0x18620;
	s29 =	sshra.s32 s10, $0x1F;
	s20 =	sadd.s32 s21, s20  }
0x10: {  	s21 =	sand.u32 $0xFFFFC000, s26;
	s24 =	sand.u32 $0xFFFFFC00, s23;
	s23 =	sand.u32 $0x400, s23  }
0x11: {  	v5 =	vld [tilespmem:s18+$0xFFFFFFD0];
	[tilespmem:s19+$0x2040 ss:$0x81] =	vst.msk $0xffff, v4;
	s27 =	sand.u32 $0x380, s25;
	s30 =	sand.u32 s29, s10;
	s25 =	smov.u32 s11  }
0x12: {  	v58 =	vld [tilespmem:s18+$0xFFFFFFE0];
	[tilespmem:s19+$0x2850 ss:$0x81] =	vst.msk $0xffff, v3;
	s26 =	sshra.s32 s11, $0x1F;
	s21 =	sadd.s32 s24, s21;
	s22 =	sor.u32 s22, s23  }
0x13: {  	v59 =	vld [tilespmem:s18+$0xFFFFFFF0];
	[tilespmem:s19+$0x3060 ss:$0x81] =	vst.msk $0xffff, v2;
	s23 =	smov.u32 s10;
	s31 =	sand.u32 s26, s11;
	s22 =	sor.u32 s27, s22  }
0x14: {  	v60 =	vld [tilespmem:s18+$0x0];
	[tilespmem:s19+$0x0 ss:$0x81] =	vst.msk $0xffff, v1;
	s21 =	sshrl.u32 s21, $0xB;
	s23 =	simm.s32 @!p1 $0x18620;
	p1 =	sgt.s32 s11, $0x780  }
0x15: {  	v61 =	vld [tilespmem:s18+$0x10];
	[tilespmem:s20+$0x3870 ss:$0x81] =	vst.msk $0xffff, v0;
	s28 =	smulhi.u32 $0xA7C5B, s21;
	s19 =	ssub.s32 s23, s30;
	s25 =	simm.s32 @!p1 $0x780  }
0x16: {  	v62 =	vld [tilespmem:s18+$0x20];
	[tilespmem:s20+$0x810 ss:$0x81] =	vst.msk $0xffff, v5;
	s23 =	ssub.s32 s25, s31;
	s26 =	sadd.s32 $0xFFFE79E0, s19;
	s19 =	ssub.s32 $0x186A0, s19  }
0x17: {  	v63 =	vld [tilespmem:s18+$0xFFFFFFC0];
	[tilespmem:s20+$0x1020 ss:$0x81] =	vst.msk $0xffff, v58;
	s24 =	sshrl.u32 s28, $0x4;
	p1 =	sgt.s32 s26, $0x7F;
	s28 =	sadd.s32 $0xFFFFF880, s23  }
0x18: {  	[tilespmem:s20+$0x1830 ss:$0x81] =	vst.msk $0xffff, v59;
	s23 =	ssub.s32 $0x800, s23;
	s27 =	smul.u32 $0x186A0, s24;
	p2 =	sgt.s32 s28, $0x7F  }
0x19: {  	s29 =	sshrl.u32 s22, $0x3;
	[tilespmem:s20+$0x2040 ss:$0x81] =	vst.msk $0xffff, v60;
	s19 =	simm.s32 @p1 $0x0;
	s23 =	simm.s32 @p2 $0x0  }
0x1a: {  	s30 =	sand.u32 $0x7, s11;
	[tilespmem:s20+$0x2850 ss:$0x81] =	vst.msk $0xffff, v61;
	s18 =	ssub.s32 s21, s27;
	s19 =	smul.u32 s23, s19  }
0x1b: {  	[tilespmem:s20+$0x3060 ss:$0x81] =	vst.msk $0xffff, v62;
	s22 =	sshll.u32 s30, $0x12;
	s21 =	sadd.s32 s3, s29;
	s18 =	sshll.u32 s18, $0x8  }
0x1c: {  	[tilespmem:s20+$0x0 ss:$0x81] =	vst.msk $0xffff, v63;
	s31 =	sor.u32 $0x400, s22;
	s19 =	sand.u32 $0x3FFFFFFF, s19;
	s18 =	sadd.s32 s18, s21  }
0x1d: {  	[hbm4b:s18+s31] =	stream.strided.scatter [tilespmem:s17], [sflag:$0x2], s19, s9, s31, $0x20;
	[tilespmem:$0x10100] =	vst v63  }
.LBB1_5:
0x1e: {  	p1 =	slt.u32 s14, $0x2  }
0x1f: {  	s18 =	smov.u32 s16;
	p2 =	sgt.s32 @!p1 s16, $0x18620;
	s17 =	sshra.s32 @!p1 s16, $0x1F  }
0x20: {  	p3 =	sgt.s32 @!p1 s15, $0x780;
	s19 =	sshra.s32 @!p1 s15, $0x1F;
	p2 =	por !p2, p1  }
0x21: {  	s16 =	sand.u32 @!p1 s17, s16;
	p3 =	por !p3, p1;
	s17 =	smov.u32 s15  }
0x22: {  	s15 =	sand.u32 @!p1 s19, s15;
	s18 =	simm.s32 @p2 $0x18620;
	s17 =	simm.s32 @p3 $0x780  }
0x23: {  	s16 =	ssub.s32 @!p1 s18, s16;
	s15 =	ssub.s32 @!p1 s17, s15  }
0x24: {  	s19 =	smov.u32 s13;
	s17 =	sadd.s32 @!p1 $0xFFFE79E0, s16;
	s18 =	sadd.s32 @!p1 $0xFFFFF880, s15  }
0x25: {  	s16 =	ssub.s32 @!p1 $0x186A0, s16;
	p2 =	sgt.s32 @!p1 s17, $0x7F;
	p3 =	sgt.s32 @!p1 s18, $0x7F  }
0x26: {  	s15 =	ssub.s32 @!p1 $0x800, s15;
	p2 =	por !p2, p1;
	p3 =	por !p3, p1  }
0x27: {  	s17 =	sadd.s32 $0x100, s12;
	s16 =	simm.s32 @!p2 $0x0;
	s15 =	simm.s32 @!p3 $0x0  }
0x28: {  	p2 =	sgt.s32 s17, $0x1869F;
	s15 =	smul.u32 @!p1 s15, s16;
	s16 =	sadd.s32 $0x800, s13  }
0x29: {  	s19 =	smov.u32 @p2 s16  }
0x2a: {  	s17 =	smov.u32 @p2 s7;
	p2 =	sgt.s32 s19, $0x7FF  }
0x2b: {  	s19 =	smov.u32 @p2 s2;
	p2 =	sne.s32 s14, s8  }
.Ltmp1:
0x2c: {  	p0 =	por !p0, !p0;
	s18 =	simm.s32 @!p1 $0x2;
	(pc) =	sbr.rel @!p2 .LBB1_6-.Ltmp1, $4  }
0x2d: {  	s16 =	smov.u32 s10;
	s10 =	smov.u32 s12;
	s15 =	sand.u32 @!p1 $0x3FFFFFFF, s15  }
0x2e: {  	s12 =	smov.u32 s17;
	_ =	swait.ge @!p1 [sflag:s18], s15;
	s20 =	ssub.s32 @!p1 $0x0, s15  }
0x2f: {  	s15 =	smov.u32 s11;
	s14 =	sadd.s32 $0x1, s14;
	[sflag:s18] =	ssyncset.done @!p1 $0x0  }
0x30: {  	s11 =	smov.u32 s13;
	s13 =	smov.u32 s19;
	[sflag:s18] =	ssyncadd.s32 @!p1 s20  }
.LBB1_1:
0x31: {  	p1 =	sge.u32 s14, s6  }
0x32: {  	s17 =	sshrl.u32 @!p1 s13, $0x3  }
0x33: {  	s18 =	sshll.u32 @!p1 s12, $0x3;
	s17 =	smul.u32 @!p1 $0xC3800, s17  }
0x34: {  	s19 =	sshll.u32 @!p1 s13, $0x7;
	s18 =	sand.u32 @!p1 $0xFFFFFC00, s18  }
0x35: {  	s17 =	sadd.s32 @!p1 s17, s18;
	s18 =	sand.u32 @!p1 $0x380, s19  }
0x36: {  	s19 =	sand.u32 @!p1 $0x7F, s12;
	s17 =	sor.u32 @!p1 s18, s17  }
0x37: {  	s18 =	sor.u32 @!p1 s19, s17  }
0x38: {  	s19 =	smulhi.u32 @!p1 $0xA79C7B17, s18;
	_ =	sdelay $0x1  }
0x39: {  	s17 =	smulhi.u32 @!p1 $0xA79C7B17, s17;
	s19 =	sshrl.u32 @!p1 s19, $0x10  }
0x3a: {  	s19 =	smul.u32 @!p1 $0x18700, s19  }
0x3b: {  	s31 =	sadd.s32 $0xFFFFFFFF, s14;
	s20 =	sxor.u32 @!p1 $0xFFFFFFFF, s14;
	s17 =	sshrl.u32 @!p1 s17, $0x10  }
0x3c: {  	s20 =	sshll.u32 @!p1 s20, $0xE;
	s17 =	sand.u32 @!p1 $0x7FF, s17;
	s18 =	ssub.s32 @!p1 s18, s19  }
0x3d: {  	s17 =	smul.u32 @!p1 $0x30E0, s17;
	s19 =	sshrl.u32 @!p1 s18, $0x3;
	s18 =	sand.u32 @!p1 $0x7, s18  }
0x3e: {  	s20 =	sand.u32 @!p1 $0x4000, s20;
	s19 =	sadd.s32 @!p1 s4, s19;
	s18 =	sshll.u32 @!p1 s18, $0x12  }
0x3f: {  	s17 =	sadd.s32 @!p1 s17, s19;
	s18 =	sor.u32 @!p1 $0x400, s18;
	s19 =	simm.s32 @!p1 $0xC3800  }
0x40: {  	[tilespmem:s20], [sflag:$0x1] =	stream.strided.gather @!p1 [hbm4b:s17+s18], $0x4000, s19, s18, $0x38;
	[tilespmem:$0x10100] =	vst v63  }
0x41: {  	p1 =	sge.u32 s31, s6  }
.Ltmp2:
0x42: {  	_ = 	snop;
	(pc) =	sbr.rel @p1 .LBB1_5-.Ltmp2, $1  }
0x43: {  	_ =	sdelay $0x3  }
0x44: {  	s17 =	simm.s32 $0x1  }
0x45: {  	_ =	swait.ge [sflag:s5], $0x4000;
	s17 =	simm.s32 @!p0 $0x0  }
0x46: {  	[sflag:s5] =	ssyncset.done $0x0;
	s18 =	sshll.u32 s17, $0xE  }
0x47: {  	[sflag:s5] =	ssyncadd.s32 $0xFFFFC000;
	s18 =	sor.u32 $0x40, s18  }
0x48: {  	s17 =	smul.u32 $0x10200, s17;
	v0 =	vld [tilespmem:s18+$0x30]  }
0x49: {  	v1 =	vld [tilespmem:s18+$0xFFFFFFD0]  }
0x4a: {  	s17 =	sshrl.u32 s17, $0x2;
	v5 =	vld [tilespmem:s18+$0xFFFFFFE0]  }
0x4b: {  	v6 =	vld [tilespmem:s18+$0xFFFFFFF0];
	s20 =	sor.u32 $0x8000, s17  }
0x4c: {  	s31 =	sand.u32 $0x1, s14;
	v4 =	vld [tilespmem:s18+$0x0];
	s19 =	sadd.s32 $0x0, s20  }
0x4d: {  	v3 =	vld [tilespmem:s18+$0x10];
	s17 =	smul.u32 $0x10200, s31;
	[tilespmem:s19+$0x3870 ss:$0x81] =	vst.msk $0xffff, v0  }
0x4e: {  	v2 =	vld [tilespmem:s18+$0x20];
	[tilespmem:s19+$0x810 ss:$0x81] =	vst.msk $0xffff, v1  }
0x4f: {  	s17 =	sshrl.u32 s17, $0x2;
	v1 =	vld [tilespmem:s18+$0xFFFFFFC0];
	[tilespmem:s19+$0x1020 ss:$0x81] =	vst.msk $0xffff, v5;
	s18 =	sadd.s32 $0x80, s18  }
0x50: {  	s21 =	simm.s32 $0x4;
	s22 =	simm.s32 $0x8;
	s17 =	sor.u32 $0x8000, s17;
	[tilespmem:s19+$0x1830 ss:$0x81] =	vst.msk $0xffff, v6;
	v0 =	vld [tilespmem:s18+$0x30]  }
.LBB1_3:
0x51: {  	p1 =	sne.s32 s22, $0x1FC;
	v5 =	vld [tilespmem:s18+$0xFFFFFFD0];
	[tilespmem:s19+$0x2040 ss:$0x81] =	vst.msk $0xffff, v4  }
0x52: {  	v6 =	vld [tilespmem:s18+$0xFFFFFFE0];
	[tilespmem:s19+$0x2850 ss:$0x81] =	vst.msk $0xffff, v3  }
0x53: {  	s23 =	sshra.s32 s21, $0x2;
	s21 =	smov.u32 s22;
	v7 =	vld [tilespmem:s18+$0xFFFFFFF0];
	[tilespmem:s19+$0x3060 ss:$0x81] =	vst.msk $0xffff, v2  }
.Ltmp3:
0x54: {  	v4 =	vld [tilespmem:s18+$0x0];
	[tilespmem:s19+$0x0 ss:$0x81] =	vst.msk $0xffff, v1;
	s19 =	sadd.s32 s23, s20;
	(pc) =	sbr.rel @p1 .LBB1_3-.Ltmp3, $4  }
0x55: {  	v3 =	vld [tilespmem:s18+$0x10];
	[tilespmem:s19+$0x3870 ss:$0x81] =	vst.msk $0xffff, v0  }
0x56: {  	[tilespmem:s19+$0x810 ss:$0x81] =	vst.msk $0xffff, v5;
	v2 =	vld [tilespmem:s18+$0x20]  }
0x57: {  	v1 =	vld [tilespmem:s18+$0xFFFFFFC0];
	[tilespmem:s19+$0x1020 ss:$0x81] =	vst.msk $0xffff, v6;
	s18 =	sadd.s32 $0x80, s18  }
0x58: {  	s22 =	sadd.s32 $0x4, s22;
	v0 =	vld [tilespmem:s18+$0x30];
	[tilespmem:s19+$0x1830 ss:$0x81] =	vst.msk $0xffff, v7  }
.Ltmp4:
0x59: {  	_ = 	snop;
	(pc) =	sbr.rel .LBB1_4-.Ltmp4, $1  }
0x5a: {  	_ =	sdelay $0x3  }
.LBB1_6:
0x5b: {  	_ =	sfence.sel $0x180000  }
0x5c: {  	s2 =	simm.s32 $0x1;
	[bflag:$0x0] =	sbarrier.arrive $0xFFFF  }
0x5d: {  	s31 =	simm.s32 $0x2;
	[sflag:s2] =	ssyncpa.u1 $0x1  }
0x5e: {  	[sflag:s31] =	ssyncpa.u1 $0x1  }
0x5f: {  	p0 =	sne.s32 s0, $0x0;
	_ =	strace $0x90000047  }
0x60: {  	s0 =	sadd.s32 @!p0 $0x100000, s1;
	[bflag:$0x2] =	sbarrier.arrive $0xFFFF  }
0x61: {  	[sflag:s0] =	ssyncadd.tile.s32 @!p0 $0x1;
	_ =	shalt  }
.Lfunc_end1:
_tile_overlayer_lowered:
.L_overlay_start_2:
0x62: {  	(tag) =	ssettag $0x2  }
0x63: {  	s0 =	rddreg [dreg:$0x0];
	s2 =	stileid.u32  }
0x64: {  	s1 =	rddreg [dreg:$0x1];
	p0 =	sne.s32 s2, $0x0  }
0x65: {  	s3 =	rddreg [dreg:$0x2];
	[bflag:$0x3] =	sbarrier.arrive $0xFFFF;
	s2 =	simm.s32 @!p0 $0x1C01  }
0x66: {  	[timem:s3], [sflag:s2] =	dma.local @!p0 [hbm:s0], s1  }
0x67: {  	s0 =	simm.s32 @!p0 $0x1  }
0x68: {  	_ =	swait.ge @!p0 [sflag:s0], s1  }
0x69: {  	s1 =	ssub.s32 @!p0 $0x0, s1;
	[sflag:s0] =	ssyncset.done @!p0 $0x0  }
0x6a: {  	[sflag:s0] =	ssyncadd.s32 @!p0 s1  }
0x6b: {  	[bflag:$0x3] =	sbarrier.arrive $0xFFFF  }
0x6c: {  	_ =	shalt  }

</sc_bundles>
